<compile_context>
chip_gen: v7x
topology: tpu7x:2x2x1
jax: 0.10.2.dev20260603
libtpu: 0.0.44.dev20260713+nightly
codegen_flags: <defaults>
</compile_context>

<pallas_src>
import jax
import jax.numpy as jnp
from jax.experimental import pallas as pl

_NB = 8
_TOPK = 4
_NHEAD = 4
_HD = 16


def _rim_body(x_ref, h0_ref, wqT_ref, bq_ref, wkT_ref, bk_ref, wvT_ref, bv_ref,
              wihT_ref, bih_ref, whhT_ref, bhh_ref,
              mqT_ref, mbq_ref, mkT_ref, mbk_ref, mvT_ref, mbv_ref,
              fcT_ref, fcb_ref, out_ref):
    seq, b, _ = x_ref.shape
    nhid = h0_ref.shape[1]
    nb = _NB
    bso = nhid // nb
    att = wvT_ref.shape[1]
    kk = nb - _TOPK
    dm = _NHEAD * _HD

    bv = bv_ref[:, :]
    bk = bk_ref[:, :]

    def step(t, hx):
        x = x_ref[pl.ds(t, 1)].reshape(b, x_ref.shape[2])
        h3 = hx.reshape(b, nb, bso)

        q2 = jnp.dot(hx.reshape(b * nb, bso), wqT_ref[:, :]) + bq_ref[:, :]
        q3 = q2.reshape(b, nb, dm)
        k1 = jnp.dot(x, wkT_ref[:, :]) + bk
        v1 = jnp.dot(x, wvT_ref[:, :]) + bv
        kst = jnp.concatenate(
            [jnp.broadcast_to(bk.reshape(1, 1, dm), (b, 1, dm)), k1[:, None, :]], axis=1)
        vst = jnp.concatenate(
            [jnp.broadcast_to(bv.reshape(1, 1, att), (b, 1, att)), v1[:, None, :]], axis=1)
        lg = jnp.einsum('bqd,bkd->bqk', q3, kst) / 8.0
        at = jax.nn.softmax(lg, axis=-1)
        attv = jnp.einsum('bqk,bkd->bqd', at, vst)
        a0 = at[:, :, 0]

        av = a0[:, :, None]
        aw = a0[:, None, :]
        jj = jax.lax.broadcasted_iota(jnp.int32, (b, nb, nb), 1)
        j2 = jax.lax.broadcasted_iota(jnp.int32, (b, nb, nb), 2)
        beats = (aw > av) | ((aw == av) & (j2 < jj))
        cnt = jnp.sum(beats.astype(jnp.float32), axis=-1)
        mask = (cnt >= float(kk)).astype(jnp.float32)

        gi_list = []
        gh_list = []
        for j in range(nb):
            gij = jnp.dot(attv[:, j, :], wihT_ref[j])
            gi_list.append(gij + bih_ref[j:j + 1, :])
            ghj = jnp.dot(hx[:, j * bso:(j + 1) * bso], whhT_ref[j])
            gh_list.append(ghj + bhh_ref[j:j + 1, :])
        gi3 = jnp.stack(gi_list, axis=1)
        gh3 = jnp.stack(gh_list, axis=1)

        r = jax.nn.sigmoid(gi3[..., :bso] + gh3[..., :bso])
        z = jax.nn.sigmoid(gi3[..., bso:2 * bso] + gh3[..., bso:2 * bso])
        n = jnp.tanh(gi3[..., 2 * bso:] + r * gh3[..., 2 * bso:])
        hn3 = (1.0 - z) * n + z * h3

        hn2 = hn3.reshape(b * nb, bso)
        qm = jnp.dot(hn2, mqT_ref[:, :]) + mbq_ref[:, :]
        km = jnp.dot(hn2, mkT_ref[:, :]) + mbk_ref[:, :]
        vm = jnp.dot(hn2, mvT_ref[:, :]) + mbv_ref[:, :]
        q4 = jnp.transpose(qm.reshape(b, nb, _NHEAD, _HD),
                           (2, 0, 1, 3)).reshape(_NHEAD * b, nb, _HD)
        k4 = jnp.transpose(km.reshape(b, nb, _NHEAD, _HD),
                           (2, 0, 1, 3)).reshape(_NHEAD * b, nb, _HD)
        v4 = jnp.transpose(vm.reshape(b, nb, _NHEAD, _HD),
                           (2, 0, 1, 3)).reshape(_NHEAD * b, nb, _HD)
        lg2 = jnp.einsum('bqd,bkd->bqk', q4, k4) / 4.0
        at2 = jax.nn.softmax(lg2, axis=-1)
        o4 = jnp.einsum('bqk,bkd->bqd', at2, v4)
        om3 = jnp.transpose(o4.reshape(_NHEAD, b, nb, _HD),
                            (1, 2, 0, 3)).reshape(b, nb, dm)
        fco = jnp.dot(om3.reshape(b * nb, dm), fcT_ref[:, :]) + fcb_ref[:, :]
        fco3 = fco.reshape(b, nb, bso)

        att_h = fco3 + hn3
        hxn3 = hn3 + att_h
        m3 = mask[:, :, None]
        hx3 = m3 * hxn3 + (1.0 - m3) * h3
        hxn = hx3.reshape(b, nhid)
        out_ref[pl.ds(t, 1)] = hxn.reshape(1, b, nhid)
        return hxn

    jax.lax.fori_loop(0, seq, step, h0_ref[:, :])


def kernel(input, hidden, seq_len, inp_qW, inp_qb, inp_kW, inp_kb, inp_vW, inp_vb,
           mha_qW, mha_qb, mha_kW, mha_kb, mha_vW, mha_vb, mha_fcW, mha_fcb,
           gru_Wih, gru_Whh, gru_bih, gru_bhh):
    seq, b, ninp = input.shape
    nhid = hidden.shape[1]
    nb = _NB
    bso = nhid // nb
    att = inp_vW.shape[0]
    idx = jnp.arange(nb)

    W4 = gru_Wih.reshape(3, nb, bso, nb, att)
    Wc = W4[:, idx, :, idx, :]
    wihT = jnp.transpose(Wc.reshape(nb, 3 * bso, att), (0, 2, 1))
    V4 = gru_Whh.reshape(3, nb, bso, nb, bso)
    Vc = V4[:, idx, :, idx, :]
    whhT = jnp.transpose(Vc.reshape(nb, 3 * bso, bso), (0, 2, 1))
    bihc = gru_bih.reshape(3, nb, bso).transpose(1, 0, 2).reshape(nb, 3 * bso)
    bhhc = gru_bhh.reshape(3, nb, bso).transpose(1, 0, 2).reshape(nb, 3 * bso)

    args = (
        input, hidden,
        inp_qW.T, inp_qb.reshape(1, -1),
        inp_kW.T, inp_kb.reshape(1, -1),
        inp_vW.T, inp_vb.reshape(1, -1),
        wihT, bihc, whhT, bhhc,
        mha_qW.T, mha_qb.reshape(1, -1),
        mha_kW.T, mha_kb.reshape(1, -1),
        mha_vW.T, mha_vb.reshape(1, -1),
        mha_fcW.T, mha_fcb.reshape(1, -1),
    )
    out = pl.pallas_call(
        _rim_body,
        out_shape=jax.ShapeDtypeStruct((seq, b, nhid), jnp.float32),
    )(*args)
    return (out, out[-1])

# --- scband reference (transcript-rebuilt; emitter-appended) ---
"""Pipeline reference for scband-rim-gru-44289702756725 (READ-ONLY COPY).

The authoritative reference and input builder live on the scoring server;
editing this copy changes nothing except your own understanding.
"""

import jax, jax.numpy as jnp
import numpy as np

NINP = 512
NHID = 1024
NB = 8
TOPK = 4
BSO = NHID // NB
ATT = BSO * 4
NMRI = 2


def _linear(x, W, b):
    return jnp.matmul(x, W.T) + b


def _mha(qi, ki, vi, Wq, bq, Wk, bk, Wv, bv, n_head, d_k, d_v, temp, fcW=None, fcb=None, residual=False):
    b, lq = qi.shape[0], qi.shape[1]
    lk = ki.shape[1]
    q = _linear(qi, Wq, bq).reshape(b, lq, n_head, d_k)
    k = _linear(ki, Wk, bk).reshape(b, lk, n_head, d_k)
    v = _linear(vi, Wv, bv).reshape(b, lk, n_head, d_v)
    q = jnp.transpose(q, (2, 0, 1, 3)).reshape(n_head * b, lq, d_k)
    k = jnp.transpose(k, (2, 0, 1, 3)).reshape(n_head * b, lk, d_k)
    v = jnp.transpose(v, (2, 0, 1, 3)).reshape(n_head * b, lk, d_v)
    attn = jnp.einsum('bqd,bkd->bqk', q, k) / temp
    attn = jax.nn.softmax(attn, axis=-1)
    out = jnp.einsum('bqk,bkd->bqd', attn, v)
    out = out.reshape(n_head, b, lq, d_v)
    out = jnp.transpose(out, (1, 2, 0, 3)).reshape(b, lq, n_head * d_v)
    if fcW is not None:
        out = _linear(out, fcW, fcb)
    if residual:
        out = out + qi
    return out, attn


def _blockify(W, k, nhid):
    # zero out off-block-diagonal elements per gate (BlockGRU.blockify_params)
    g1 = nhid // k
    g2 = W.shape[1] // k
    m = jnp.kron(jnp.eye(k, dtype=W.dtype), jnp.ones((g1, g2), dtype=W.dtype))
    return W * jnp.concatenate([m, m, m], axis=0)


def _gru_cell(x, h, Wih, Whh, bih, bhh):
    gi = jnp.matmul(x, Wih.T) + bih
    gh = jnp.matmul(h, Whh.T) + bhh
    i_r, i_z, i_n = jnp.split(gi, 3, axis=1)
    h_r, h_z, h_n = jnp.split(gh, 3, axis=1)
    r = jax.nn.sigmoid(i_r + h_r)
    z = jax.nn.sigmoid(i_z + h_z)
    n = jnp.tanh(i_n + r * h_n)
    return (1.0 - z) * n + z * h


@jax.custom_vjp
def _blocked_grad(x, mask):
    return x


def _bg_fwd(x, mask):
    return x, mask


def _bg_bwd(mask, g):
    return (g * mask, jnp.zeros_like(mask))


_blocked_grad.defvjp(_bg_fwd, _bg_bwd)


def setup_inputs(seed: int = 0):
    key = jax.random.key(seed)
    ks = jax.random.split(key, 24)
    p = lambda i, shape: jax.random.normal(ks[i], shape, dtype=jnp.float32) * 0.02
    seq, b = 6, 256
    return {
        'input': jax.random.normal(ks[0], (seq, b, NINP), dtype=jnp.float32),
        'hidden': jnp.zeros((b, NHID), dtype=jnp.float32),
        'seq_len': 6,
        'inp_qW': p(1, (64, BSO)), 'inp_qb': p(2, (64,)),
        'inp_kW': p(3, (64, NINP)), 'inp_kb': p(4, (64,)),
        'inp_vW': p(5, (ATT, NINP)), 'inp_vb': p(6, (ATT,)),
        'mha_qW': p(7, (64, BSO)), 'mha_qb': p(8, (64,)),
        'mha_kW': p(9, (64, BSO)), 'mha_kb': p(10, (64,)),
        'mha_vW': p(11, (64, BSO)), 'mha_vb': p(12, (64,)),
        'mha_fcW': p(13, (BSO, 64)), 'mha_fcb': p(14, (BSO,)),
        'gru_Wih': p(15, (3 * NHID, ATT * NB)),
        'gru_Whh': p(16, (3 * NHID, NHID)),
        'gru_bih': p(17, (3 * NHID,)),
        'gru_bhh': p(18, (3 * NHID,)),
    }


def reference(input, hidden, seq_len, inp_qW, inp_qb, inp_kW, inp_kb, inp_vW, inp_vb,
              mha_qW, mha_qb, mha_kW, mha_kb, mha_vW, mha_vb, mha_fcW, mha_fcb,
              gru_Wih, gru_Whh, gru_bih, gru_bhh):
    Wih = _blockify(gru_Wih, NB, NHID)
    Whh = _blockify(gru_Whh, NB, NHID)
    hx = hidden + (jnp.asarray(seq_len) * 0).astype(hidden.dtype)
    outs = []
    for t in range(input.shape[0]):
        x_t = input[t]
        b = x_t.shape[0]
        inp_use = x_t.reshape(b, 1, NINP)
        inp_use = jnp.tile(inp_use, (1, NMRI - 1, 1))
        inp_use = jnp.concatenate([jnp.zeros_like(inp_use[:, 0:1, :]), inp_use], axis=1)
        qh = hx.reshape(b, NB, BSO)
        att_inp, iatt = _mha(qh, inp_use, inp_use, inp_qW, inp_qb, inp_kW, inp_kb,
                             inp_vW, inp_vb, 1, 64, ATT, float(np.sqrt(64.0)))
        inp_flat = att_inp.reshape(b, ATT * NB)
        iatt0 = iatt[:, :, 0]
        kk = NB - TOPK
        _, bottomk_idx = jax.lax.top_k(iatt0, kk)
        new_mask = jnp.ones_like(iatt0).at[jnp.arange(b)[:, None], bottomk_idx].set(0.0)
        mask = jnp.repeat(new_mask.reshape(b, NB, 1), BSO, axis=2).reshape(b, NHID)
        mask = jax.lax.stop_gradient(mask)
        hx_old = hx * 1.0
        hx_new = _gru_cell(inp_flat, hx, Wih, Whh, gru_bih, gru_bhh)
        h3 = hx_new.reshape(b, NB, BSO)
        hg = _blocked_grad(h3, mask.reshape(b, NB, BSO))
        att_h, _ = _mha(hg, hg, hg, mha_qW, mha_qb, mha_kW, mha_kb, mha_vW, mha_vb,
                        4, 16, 16, float(np.sqrt(16.0)), mha_fcW, mha_fcb, residual=True)
        hx_new = (h3 + att_h).reshape(b, NHID)
        hx = mask * hx_new + (1.0 - mask) * hx_old
        outs.append(hx)
    output = jnp.stack(outs)
    return (output, hx)

if __name__ == "__main__":
    import jax
    _d = setup_inputs()
    print(jax.jit(kernel)(*tuple(_d.values())))

</pallas_src>

<mosaic_0001>
module attributes {stable_mosaic.version = 14 : i64} {
  func.func @_rim_body(%arg0: memref<6x256x512xf32, #tpu.memory_space<vmem>>, %arg1: memref<256x1024xf32, #tpu.memory_space<vmem>>, %arg2: memref<128x64xf32, #tpu.memory_space<vmem>>, %arg3: memref<1x64xf32, #tpu.memory_space<vmem>>, %arg4: memref<512x64xf32, #tpu.memory_space<vmem>>, %arg5: memref<1x64xf32, #tpu.memory_space<vmem>>, %arg6: memref<512x512xf32, #tpu.memory_space<vmem>>, %arg7: memref<1x512xf32, #tpu.memory_space<vmem>>, %arg8: memref<8x512x384xf32, #tpu.memory_space<vmem>>, %arg9: memref<8x384xf32, #tpu.memory_space<vmem>>, %arg10: memref<8x128x384xf32, #tpu.memory_space<vmem>>, %arg11: memref<8x384xf32, #tpu.memory_space<vmem>>, %arg12: memref<128x64xf32, #tpu.memory_space<vmem>>, %arg13: memref<1x64xf32, #tpu.memory_space<vmem>>, %arg14: memref<128x64xf32, #tpu.memory_space<vmem>>, %arg15: memref<1x64xf32, #tpu.memory_space<vmem>>, %arg16: memref<128x64xf32, #tpu.memory_space<vmem>>, %arg17: memref<1x64xf32, #tpu.memory_space<vmem>>, %arg18: memref<64x128xf32, #tpu.memory_space<vmem>>, %arg19: memref<1x128xf32, #tpu.memory_space<vmem>>, %arg20: memref<6x256x1024xf32, #tpu.memory_space<vmem>>) attributes {dimension_semantics = [], scalar_prefetch = 0 : i64, scratch_operands = 0 : i64, tpu.core_type = #tpu.core_type<tc>} {
    %get3A = arith.constant 0 : index
    %get3A_0 = arith.constant 0 : index
    %get3A_1 = vector.load %arg7[%get3A, %get3A_0] : memref<1x512xf32, #tpu.memory_space<vmem>>, vector<1x512xf32>
    %get3A_2 = arith.constant 0 : index
    %get3A_3 = arith.constant 0 : index
    %get3A_4 = vector.load %arg5[%get3A_2, %get3A_3] : memref<1x64xf32, #tpu.memory_space<vmem>>, vector<1x64xf32>
    %get3A_5 = arith.constant 0 : index
    %get3A_6 = arith.constant 0 : index
    %get3A_7 = vector.load %arg1[%get3A_5, %get3A_6] : memref<256x1024xf32, #tpu.memory_space<vmem>>, vector<256x1024xf32>
    %scan3A = arith.constant 0 : i32
    %scan3A_8 = arith.constant 6 : i32
    %scan3A_9 = arith.addi %scan3A, %scan3A_8 : i32
    %scan3A_10 = arith.constant 1 : i32
    %scan3A_11 = scf.for %scan3A_13 = %scan3A to %scan3A_9 step %scan3A_10 iter_args(%scan3A_14 = %get3A_7) -> (vector<256x1024xf32>)  : i32 {
      %get3A_15 = arith.index_cast %scan3A_13 : i32 to index
      %get3A_16 = arith.constant 0 : index
      %get3A_17 = arith.constant 0 : index
      %get3A_18 = vector.load %arg0[%get3A_15, %get3A_16, %get3A_17] : memref<6x256x512xf32, #tpu.memory_space<vmem>>, vector<1x256x512xf32>
      %reshape3A = vector.shape_cast %get3A_18 : vector<1x256x512xf32> to vector<256x512xf32>
      %reshape3A_19 = vector.shape_cast %scan3A_14 : vector<256x1024xf32> to vector<256x8x128xf32>
      %reshape3A_20 = vector.shape_cast %scan3A_14 : vector<256x1024xf32> to vector<2048x128xf32>
      %get3A_21 = arith.constant 0 : index
      %get3A_22 = arith.constant 0 : index
      %get3A_23 = vector.load %arg2[%get3A_21, %get3A_22] : memref<128x64xf32, #tpu.memory_space<vmem>>, vector<128x64xf32>
      %dot_general3A = arith.constant dense<0.000000e+00> : vector<2048x64xf32>
      %dot_general3A_24 = tpu.matmul %reshape3A_20, %get3A_23, %dot_general3A {dimension_numbers = #tpu.dot_dimension_numbers<[1], [0], [0], [1], [0, 0, 1, 1], [], []>, transpose_lhs_hint = false} : vector<2048x128xf32>, vector<128x64xf32>, vector<2048x64xf32> -> vector<2048x64xf32>
      %get3A_25 = arith.constant 0 : index
      %get3A_26 = arith.constant 0 : index
      %get3A_27 = vector.load %arg3[%get3A_25, %get3A_26] : memref<1x64xf32, #tpu.memory_space<vmem>>, vector<1x64xf32>
      %add3A = vector.broadcast %get3A_27 : vector<1x64xf32> to vector<2048x64xf32>
      %add3A_28 = arith.addf %dot_general3A_24, %add3A : vector<2048x64xf32>
      %reshape3A_29 = vector.shape_cast %add3A_28 : vector<2048x64xf32> to vector<256x8x64xf32>
      %get3A_30 = arith.constant 0 : index
      %get3A_31 = arith.constant 0 : index
      %get3A_32 = vector.load %arg4[%get3A_30, %get3A_31] : memref<512x64xf32, #tpu.memory_space<vmem>>, vector<512x64xf32>
      %dot_general3A_33 = arith.constant dense<0.000000e+00> : vector<256x64xf32>
      %dot_general3A_34 = tpu.matmul %reshape3A, %get3A_32, %dot_general3A_33 {dimension_numbers = #tpu.dot_dimension_numbers<[1], [0], [0], [1], [0, 0, 1, 1], [], []>, transpose_lhs_hint = false} : vector<256x512xf32>, vector<512x64xf32>, vector<256x64xf32> -> vector<256x64xf32>
      %add3A_35 = vector.broadcast %get3A_4 : vector<1x64xf32> to vector<256x64xf32>
      %add3A_36 = arith.addf %dot_general3A_34, %add3A_35 : vector<256x64xf32>
      %get3A_37 = arith.constant 0 : index
      %get3A_38 = arith.constant 0 : index
      %get3A_39 = vector.load %arg6[%get3A_37, %get3A_38] : memref<512x512xf32, #tpu.memory_space<vmem>>, vector<512x512xf32>
      %dot_general3A_40 = arith.constant dense<0.000000e+00> : vector<256x512xf32>
      %dot_general3A_41 = tpu.matmul %reshape3A, %get3A_39, %dot_general3A_40 {dimension_numbers = #tpu.dot_dimension_numbers<[1], [0], [0], [1], [0, 0, 1, 1], [], []>, transpose_lhs_hint = false} : vector<256x512xf32>, vector<512x512xf32>, vector<256x512xf32> -> vector<256x512xf32>
      %add3A_42 = vector.broadcast %get3A_1 : vector<1x512xf32> to vector<256x512xf32>
      %add3A_43 = arith.addf %dot_general3A_41, %add3A_42 : vector<256x512xf32>
      %reshape3A_44 = vector.shape_cast %get3A_4 : vector<1x64xf32> to vector<1x1x64xf32>
      %broadcast_in_dim3A = vector.shape_cast %reshape3A_44 : vector<1x1x64xf32> to vector<1x1x64xf32>
      %broadcast_in_dim3A_45 = vector.broadcast %broadcast_in_dim3A : vector<1x1x64xf32> to vector<256x1x64xf32>
      %broadcast_in_dim3A_46 = vector.shape_cast %add3A_36 : vector<256x64xf32> to vector<256x1x64xf32>
      %concatenate3A = tpu.concatenate %broadcast_in_dim3A_45, %broadcast_in_dim3A_46 in 1 : vector<256x1x64xf32>, vector<256x1x64xf32> -> vector<256x2x64xf32>
      %reshape3A_47 = vector.shape_cast %get3A_1 : vector<1x512xf32> to vector<1x1x512xf32>
      %broadcast_in_dim3A_48 = vector.shape_cast %reshape3A_47 : vector<1x1x512xf32> to vector<1x1x512xf32>
      %broadcast_in_dim3A_49 = vector.broadcast %broadcast_in_dim3A_48 : vector<1x1x512xf32> to vector<256x1x512xf32>
      %broadcast_in_dim3A_50 = vector.shape_cast %add3A_43 : vector<256x512xf32> to vector<256x1x512xf32>
      %concatenate3A_51 = tpu.concatenate %broadcast_in_dim3A_49, %broadcast_in_dim3A_50 in 1 : vector<256x1x512xf32>, vector<256x1x512xf32> -> vector<256x2x512xf32>
      "tpu.trace_start"() <{level = 10 : i32, message = "bqd,bkd->bqk"}> : () -> ()
      %dot_general3A_52 = arith.constant dense<0.000000e+00> : vector<256x8x2xf32>
      %dot_general3A_53 = tpu.matmul %reshape3A_29, %concatenate3A, %dot_general3A_52 {dimension_numbers = #tpu.dot_dimension_numbers<[2], [2], [1], [1], [0, 0, 0, 1, 1, 1], [0], [0]>, transpose_lhs_hint = false} : vector<256x8x64xf32>, vector<256x2x64xf32>, vector<256x8x2xf32> -> vector<256x8x2xf32>
      "tpu.trace_stop"() : () -> ()
      %div3A = arith.constant 8.000000e+00 : f32
      %div3A_54 = vector.broadcast %div3A : f32 to vector<256x8x2xf32>
      %div3A_55 = arith.divf %dot_general3A_53, %div3A_54 : vector<256x8x2xf32>
      %reduce_max3A = arith.constant dense<0xFF800000> : vector<256x8xf32>
      %reduce_max3A_56 = vector.multi_reduction <maximumf>, %div3A_55, %reduce_max3A [2] : vector<256x8x2xf32> to vector<256x8xf32>
      %max3A = arith.constant 0xFF800000 : f32
      %max3A_57 = vector.broadcast %max3A : f32 to vector<256x8xf32>
      %max3A_58 = arith.maximumf %max3A_57, %reduce_max3A_56 : vector<256x8xf32>
      %broadcast_in_dim3A_59 = vector.shape_cast %max3A_58 : vector<256x8xf32> to vector<256x8x1xf32>
      %sub3A = vector.broadcast %broadcast_in_dim3A_59 : vector<256x8x1xf32> to vector<256x8x2xf32>
      %sub3A_60 = arith.subf %div3A_55, %sub3A : vector<256x8x2xf32>
      %exp3A = math.exp %sub3A_60 : vector<256x8x2xf32>
      %reduce_sum3A = arith.constant dense<0.000000e+00> : vector<256x8xf32>
      %reduce_sum3A_61 = vector.multi_reduction <add>, %exp3A, %reduce_sum3A [2] : vector<256x8x2xf32> to vector<256x8xf32>
      %broadcast_in_dim3A_62 = vector.shape_cast %reduce_sum3A_61 : vector<256x8xf32> to vector<256x8x1xf32>
      %div3A_63 = vector.broadcast %broadcast_in_dim3A_62 : vector<256x8x1xf32> to vector<256x8x2xf32>
      %div3A_64 = arith.divf %exp3A, %div3A_63 : vector<256x8x2xf32>
      "tpu.trace_start"() <{level = 10 : i32, message = "bqk,bkd->bqd"}> : () -> ()
      %dot_general3A_65 = arith.constant dense<0.000000e+00> : vector<256x8x512xf32>
      %dot_general3A_66 = tpu.matmul %div3A_64, %concatenate3A_51, %dot_general3A_65 {dimension_numbers = #tpu.dot_dimension_numbers<[2], [1], [1], [2], [0, 0, 0, 1, 1, 2], [0], [0]>, transpose_lhs_hint = false} : vector<256x8x2xf32>, vector<256x2x512xf32>, vector<256x8x512xf32> -> vector<256x8x512xf32>
      "tpu.trace_stop"() : () -> ()
      %slice3A = vector.extract_strided_slice %div3A_64 {offsets = [0, 0, 0], sizes = [256, 8, 1], strides = [1, 1, 1]} : vector<256x8x2xf32> to vector<256x8x1xf32>
      %squeeze3A = vector.shape_cast %slice3A : vector<256x8x1xf32> to vector<256x8xf32>
      %broadcast_in_dim3A_67 = vector.shape_cast %squeeze3A : vector<256x8xf32> to vector<256x8x1xf32>
      %broadcast_in_dim3A_68 = vector.shape_cast %squeeze3A : vector<256x8xf32> to vector<256x1x8xf32>
      %iota3A = tpu.iota {dimensions = array<i32: 1>} : vector<256x8x8xi32>
      %iota3A_69 = tpu.iota {dimensions = array<i32: 2>} : vector<256x8x8xi32>
      %gt3A = vector.broadcast %broadcast_in_dim3A_68 : vector<256x1x8xf32> to vector<256x8x8xf32>
      %gt3A_70 = vector.broadcast %broadcast_in_dim3A_67 : vector<256x8x1xf32> to vector<256x8x8xf32>
      %gt3A_71 = arith.cmpf ogt, %gt3A, %gt3A_70 : vector<256x8x8xf32>
      %eq3A = vector.broadcast %broadcast_in_dim3A_68 : vector<256x1x8xf32> to vector<256x8x8xf32>
      %eq3A_72 = vector.broadcast %broadcast_in_dim3A_67 : vector<256x8x1xf32> to vector<256x8x8xf32>
      %eq3A_73 = arith.cmpf oeq, %eq3A, %eq3A_72 : vector<256x8x8xf32>
      %lt3A = arith.cmpi slt, %iota3A_69, %iota3A : vector<256x8x8xi32>
      %and3A = arith.andi %eq3A_73, %lt3A : vector<256x8x8xi1>
      %or3A = arith.ori %gt3A_71, %and3A : vector<256x8x8xi1>
      %convert_element_type3A = arith.extui %or3A : vector<256x8x8xi1> to vector<256x8x8xi32>
      %convert_element_type3A_74 = arith.sitofp %convert_element_type3A : vector<256x8x8xi32> to vector<256x8x8xf32>
      %reduce_sum3A_75 = arith.constant dense<0.000000e+00> : vector<256x8xf32>
      %reduce_sum3A_76 = vector.multi_reduction <add>, %convert_element_type3A_74, %reduce_sum3A_75 [2] : vector<256x8x8xf32> to vector<256x8xf32>
      %ge3A = arith.constant 4.000000e+00 : f32
      %ge3A_77 = vector.broadcast %ge3A : f32 to vector<256x8xf32>
      %ge3A_78 = arith.cmpf oge, %reduce_sum3A_76, %ge3A_77 : vector<256x8xf32>
      %convert_element_type3A_79 = arith.extui %ge3A_78 : vector<256x8xi1> to vector<256x8xi32>
      %convert_element_type3A_80 = arith.sitofp %convert_element_type3A_79 : vector<256x8xi32> to vector<256x8xf32>
      %slice3A_81 = vector.extract_strided_slice %dot_general3A_66 {offsets = [0, 0, 0], sizes = [256, 1, 512], strides = [1, 1, 1]} : vector<256x8x512xf32> to vector<256x1x512xf32>
      %squeeze3A_82 = vector.shape_cast %slice3A_81 : vector<256x1x512xf32> to vector<256x512xf32>
      %get3A_83 = arith.constant 0 : index
      %get3A_84 = arith.constant 0 : index
      %get3A_85 = arith.constant 0 : index
      %get3A_86 = vector.load %arg8[%get3A_83, %get3A_84, %get3A_85] : memref<8x512x384xf32, #tpu.memory_space<vmem>>, vector<1x512x384xf32>
      %get3A_87 = vector.shape_cast %get3A_86 : vector<1x512x384xf32> to vector<512x384xf32>
      %dot_general3A_88 = arith.constant dense<0.000000e+00> : vector<256x384xf32>
      %dot_general3A_89 = tpu.matmul %squeeze3A_82, %get3A_87, %dot_general3A_88 {dimension_numbers = #tpu.dot_dimension_numbers<[1], [0], [0], [1], [0, 0, 1, 1], [], []>, transpose_lhs_hint = false} : vector<256x512xf32>, vector<512x384xf32>, vector<256x384xf32> -> vector<256x384xf32>
      %get3A_90 = arith.constant 0 : index
      %get3A_91 = arith.constant 0 : index
      %get3A_92 = vector.load %arg9[%get3A_90, %get3A_91] : memref<8x384xf32, #tpu.memory_space<vmem>>, vector<1x384xf32>
      %add3A_93 = vector.broadcast %get3A_92 : vector<1x384xf32> to vector<256x384xf32>
      %add3A_94 = arith.addf %dot_general3A_89, %add3A_93 : vector<256x384xf32>
      %slice3A_95 = vector.extract_strided_slice %scan3A_14 {offsets = [0, 0], sizes = [256, 128], strides = [1, 1]} : vector<256x1024xf32> to vector<256x128xf32>
      %get3A_96 = arith.constant 0 : index
      %get3A_97 = arith.constant 0 : index
      %get3A_98 = arith.constant 0 : index
      %get3A_99 = vector.load %arg10[%get3A_96, %get3A_97, %get3A_98] : memref<8x128x384xf32, #tpu.memory_space<vmem>>, vector<1x128x384xf32>
      %get3A_100 = vector.shape_cast %get3A_99 : vector<1x128x384xf32> to vector<128x384xf32>
      %dot_general3A_101 = arith.constant dense<0.000000e+00> : vector<256x384xf32>
      %dot_general3A_102 = tpu.matmul %slice3A_95, %get3A_100, %dot_general3A_101 {dimension_numbers = #tpu.dot_dimension_numbers<[1], [0], [0], [1], [0, 0, 1, 1], [], []>, transpose_lhs_hint = false} : vector<256x128xf32>, vector<128x384xf32>, vector<256x384xf32> -> vector<256x384xf32>
      %get3A_103 = arith.constant 0 : index
      %get3A_104 = arith.constant 0 : index
      %get3A_105 = vector.load %arg11[%get3A_103, %get3A_104] : memref<8x384xf32, #tpu.memory_space<vmem>>, vector<1x384xf32>
      %add3A_106 = vector.broadcast %get3A_105 : vector<1x384xf32> to vector<256x384xf32>
      %add3A_107 = arith.addf %dot_general3A_102, %add3A_106 : vector<256x384xf32>
      %slice3A_108 = vector.extract_strided_slice %dot_general3A_66 {offsets = [0, 1, 0], sizes = [256, 1, 512], strides = [1, 1, 1]} : vector<256x8x512xf32> to vector<256x1x512xf32>
      %squeeze3A_109 = vector.shape_cast %slice3A_108 : vector<256x1x512xf32> to vector<256x512xf32>
      %get3A_110 = arith.constant 1 : index
      %get3A_111 = arith.constant 0 : index
      %get3A_112 = arith.constant 0 : index
      %get3A_113 = vector.load %arg8[%get3A_110, %get3A_111, %get3A_112] : memref<8x512x384xf32, #tpu.memory_space<vmem>>, vector<1x512x384xf32>
      %get3A_114 = vector.shape_cast %get3A_113 : vector<1x512x384xf32> to vector<512x384xf32>
      %dot_general3A_115 = arith.constant dense<0.000000e+00> : vector<256x384xf32>
      %dot_general3A_116 = tpu.matmul %squeeze3A_109, %get3A_114, %dot_general3A_115 {dimension_numbers = #tpu.dot_dimension_numbers<[1], [0], [0], [1], [0, 0, 1, 1], [], []>, transpose_lhs_hint = false} : vector<256x512xf32>, vector<512x384xf32>, vector<256x384xf32> -> vector<256x384xf32>
      %get3A_117 = arith.constant 1 : index
      %get3A_118 = arith.constant 0 : index
      %get3A_119 = vector.load %arg9[%get3A_117, %get3A_118] : memref<8x384xf32, #tpu.memory_space<vmem>>, vector<1x384xf32>
      %add3A_120 = vector.broadcast %get3A_119 : vector<1x384xf32> to vector<256x384xf32>
      %add3A_121 = arith.addf %dot_general3A_116, %add3A_120 : vector<256x384xf32>
      %slice3A_122 = vector.extract_strided_slice %scan3A_14 {offsets = [0, 128], sizes = [256, 128], strides = [1, 1]} : vector<256x1024xf32> to vector<256x128xf32>
      %get3A_123 = arith.constant 1 : index
      %get3A_124 = arith.constant 0 : index
      %get3A_125 = arith.constant 0 : index
      %get3A_126 = vector.load %arg10[%get3A_123, %get3A_124, %get3A_125] : memref<8x128x384xf32, #tpu.memory_space<vmem>>, vector<1x128x384xf32>
      %get3A_127 = vector.shape_cast %get3A_126 : vector<1x128x384xf32> to vector<128x384xf32>
      %dot_general3A_128 = arith.constant dense<0.000000e+00> : vector<256x384xf32>
      %dot_general3A_129 = tpu.matmul %slice3A_122, %get3A_127, %dot_general3A_128 {dimension_numbers = #tpu.dot_dimension_numbers<[1], [0], [0], [1], [0, 0, 1, 1], [], []>, transpose_lhs_hint = false} : vector<256x128xf32>, vector<128x384xf32>, vector<256x384xf32> -> vector<256x384xf32>
      %get3A_130 = arith.constant 1 : index
      %get3A_131 = arith.constant 0 : index
      %get3A_132 = vector.load %arg11[%get3A_130, %get3A_131] : memref<8x384xf32, #tpu.memory_space<vmem>>, vector<1x384xf32>
      %add3A_133 = vector.broadcast %get3A_132 : vector<1x384xf32> to vector<256x384xf32>
      %add3A_134 = arith.addf %dot_general3A_129, %add3A_133 : vector<256x384xf32>
      %slice3A_135 = vector.extract_strided_slice %dot_general3A_66 {offsets = [0, 2, 0], sizes = [256, 1, 512], strides = [1, 1, 1]} : vector<256x8x512xf32> to vector<256x1x512xf32>
      %squeeze3A_136 = vector.shape_cast %slice3A_135 : vector<256x1x512xf32> to vector<256x512xf32>
      %get3A_137 = arith.constant 2 : index
      %get3A_138 = arith.constant 0 : index
      %get3A_139 = arith.constant 0 : index
      %get3A_140 = vector.load %arg8[%get3A_137, %get3A_138, %get3A_139] : memref<8x512x384xf32, #tpu.memory_space<vmem>>, vector<1x512x384xf32>
      %get3A_141 = vector.shape_cast %get3A_140 : vector<1x512x384xf32> to vector<512x384xf32>
      %dot_general3A_142 = arith.constant dense<0.000000e+00> : vector<256x384xf32>
      %dot_general3A_143 = tpu.matmul %squeeze3A_136, %get3A_141, %dot_general3A_142 {dimension_numbers = #tpu.dot_dimension_numbers<[1], [0], [0], [1], [0, 0, 1, 1], [], []>, transpose_lhs_hint = false} : vector<256x512xf32>, vector<512x384xf32>, vector<256x384xf32> -> vector<256x384xf32>
      %get3A_144 = arith.constant 2 : index
      %get3A_145 = arith.constant 0 : index
      %get3A_146 = vector.load %arg9[%get3A_144, %get3A_145] : memref<8x384xf32, #tpu.memory_space<vmem>>, vector<1x384xf32>
      %add3A_147 = vector.broadcast %get3A_146 : vector<1x384xf32> to vector<256x384xf32>
      %add3A_148 = arith.addf %dot_general3A_143, %add3A_147 : vector<256x384xf32>
      %slice3A_149 = vector.extract_strided_slice %scan3A_14 {offsets = [0, 256], sizes = [256, 128], strides = [1, 1]} : vector<256x1024xf32> to vector<256x128xf32>
      %get3A_150 = arith.constant 2 : index
      %get3A_151 = arith.constant 0 : index
      %get3A_152 = arith.constant 0 : index
      %get3A_153 = vector.load %arg10[%get3A_150, %get3A_151, %get3A_152] : memref<8x128x384xf32, #tpu.memory_space<vmem>>, vector<1x128x384xf32>
      %get3A_154 = vector.shape_cast %get3A_153 : vector<1x128x384xf32> to vector<128x384xf32>
      %dot_general3A_155 = arith.constant dense<0.000000e+00> : vector<256x384xf32>
      %dot_general3A_156 = tpu.matmul %slice3A_149, %get3A_154, %dot_general3A_155 {dimension_numbers = #tpu.dot_dimension_numbers<[1], [0], [0], [1], [0, 0, 1, 1], [], []>, transpose_lhs_hint = false} : vector<256x128xf32>, vector<128x384xf32>, vector<256x384xf32> -> vector<256x384xf32>
      %get3A_157 = arith.constant 2 : index
      %get3A_158 = arith.constant 0 : index
      %get3A_159 = vector.load %arg11[%get3A_157, %get3A_158] : memref<8x384xf32, #tpu.memory_space<vmem>>, vector<1x384xf32>
      %add3A_160 = vector.broadcast %get3A_159 : vector<1x384xf32> to vector<256x384xf32>
      %add3A_161 = arith.addf %dot_general3A_156, %add3A_160 : vector<256x384xf32>
      %slice3A_162 = vector.extract_strided_slice %dot_general3A_66 {offsets = [0, 3, 0], sizes = [256, 1, 512], strides = [1, 1, 1]} : vector<256x8x512xf32> to vector<256x1x512xf32>
      %squeeze3A_163 = vector.shape_cast %slice3A_162 : vector<256x1x512xf32> to vector<256x512xf32>
      %get3A_164 = arith.constant 3 : index
      %get3A_165 = arith.constant 0 : index
      %get3A_166 = arith.constant 0 : index
      %get3A_167 = vector.load %arg8[%get3A_164, %get3A_165, %get3A_166] : memref<8x512x384xf32, #tpu.memory_space<vmem>>, vector<1x512x384xf32>
      %get3A_168 = vector.shape_cast %get3A_167 : vector<1x512x384xf32> to vector<512x384xf32>
      %dot_general3A_169 = arith.constant dense<0.000000e+00> : vector<256x384xf32>
      %dot_general3A_170 = tpu.matmul %squeeze3A_163, %get3A_168, %dot_general3A_169 {dimension_numbers = #tpu.dot_dimension_numbers<[1], [0], [0], [1], [0, 0, 1, 1], [], []>, transpose_lhs_hint = false} : vector<256x512xf32>, vector<512x384xf32>, vector<256x384xf32> -> vector<256x384xf32>
      %get3A_171 = arith.constant 3 : index
      %get3A_172 = arith.constant 0 : index
      %get3A_173 = vector.load %arg9[%get3A_171, %get3A_172] : memref<8x384xf32, #tpu.memory_space<vmem>>, vector<1x384xf32>
      %add3A_174 = vector.broadcast %get3A_173 : vector<1x384xf32> to vector<256x384xf32>
      %add3A_175 = arith.addf %dot_general3A_170, %add3A_174 : vector<256x384xf32>
      %slice3A_176 = vector.extract_strided_slice %scan3A_14 {offsets = [0, 384], sizes = [256, 128], strides = [1, 1]} : vector<256x1024xf32> to vector<256x128xf32>
      %get3A_177 = arith.constant 3 : index
      %get3A_178 = arith.constant 0 : index
      %get3A_179 = arith.constant 0 : index
      %get3A_180 = vector.load %arg10[%get3A_177, %get3A_178, %get3A_179] : memref<8x128x384xf32, #tpu.memory_space<vmem>>, vector<1x128x384xf32>
      %get3A_181 = vector.shape_cast %get3A_180 : vector<1x128x384xf32> to vector<128x384xf32>
      %dot_general3A_182 = arith.constant dense<0.000000e+00> : vector<256x384xf32>
      %dot_general3A_183 = tpu.matmul %slice3A_176, %get3A_181, %dot_general3A_182 {dimension_numbers = #tpu.dot_dimension_numbers<[1], [0], [0], [1], [0, 0, 1, 1], [], []>, transpose_lhs_hint = false} : vector<256x128xf32>, vector<128x384xf32>, vector<256x384xf32> -> vector<256x384xf32>
      %get3A_184 = arith.constant 3 : index
      %get3A_185 = arith.constant 0 : index
      %get3A_186 = vector.load %arg11[%get3A_184, %get3A_185] : memref<8x384xf32, #tpu.memory_space<vmem>>, vector<1x384xf32>
      %add3A_187 = vector.broadcast %get3A_186 : vector<1x384xf32> to vector<256x384xf32>
      %add3A_188 = arith.addf %dot_general3A_183, %add3A_187 : vector<256x384xf32>
      %slice3A_189 = vector.extract_strided_slice %dot_general3A_66 {offsets = [0, 4, 0], sizes = [256, 1, 512], strides = [1, 1, 1]} : vector<256x8x512xf32> to vector<256x1x512xf32>
      %squeeze3A_190 = vector.shape_cast %slice3A_189 : vector<256x1x512xf32> to vector<256x512xf32>
      %get3A_191 = arith.constant 4 : index
      %get3A_192 = arith.constant 0 : index
      %get3A_193 = arith.constant 0 : index
      %get3A_194 = vector.load %arg8[%get3A_191, %get3A_192, %get3A_193] : memref<8x512x384xf32, #tpu.memory_space<vmem>>, vector<1x512x384xf32>
      %get3A_195 = vector.shape_cast %get3A_194 : vector<1x512x384xf32> to vector<512x384xf32>
      %dot_general3A_196 = arith.constant dense<0.000000e+00> : vector<256x384xf32>
      %dot_general3A_197 = tpu.matmul %squeeze3A_190, %get3A_195, %dot_general3A_196 {dimension_numbers = #tpu.dot_dimension_numbers<[1], [0], [0], [1], [0, 0, 1, 1], [], []>, transpose_lhs_hint = false} : vector<256x512xf32>, vector<512x384xf32>, vector<256x384xf32> -> vector<256x384xf32>
      %get3A_198 = arith.constant 4 : index
      %get3A_199 = arith.constant 0 : index
      %get3A_200 = vector.load %arg9[%get3A_198, %get3A_199] : memref<8x384xf32, #tpu.memory_space<vmem>>, vector<1x384xf32>
      %add3A_201 = vector.broadcast %get3A_200 : vector<1x384xf32> to vector<256x384xf32>
      %add3A_202 = arith.addf %dot_general3A_197, %add3A_201 : vector<256x384xf32>
      %slice3A_203 = vector.extract_strided_slice %scan3A_14 {offsets = [0, 512], sizes = [256, 128], strides = [1, 1]} : vector<256x1024xf32> to vector<256x128xf32>
      %get3A_204 = arith.constant 4 : index
      %get3A_205 = arith.constant 0 : index
      %get3A_206 = arith.constant 0 : index
      %get3A_207 = vector.load %arg10[%get3A_204, %get3A_205, %get3A_206] : memref<8x128x384xf32, #tpu.memory_space<vmem>>, vector<1x128x384xf32>
      %get3A_208 = vector.shape_cast %get3A_207 : vector<1x128x384xf32> to vector<128x384xf32>
      %dot_general3A_209 = arith.constant dense<0.000000e+00> : vector<256x384xf32>
      %dot_general3A_210 = tpu.matmul %slice3A_203, %get3A_208, %dot_general3A_209 {dimension_numbers = #tpu.dot_dimension_numbers<[1], [0], [0], [1], [0, 0, 1, 1], [], []>, transpose_lhs_hint = false} : vector<256x128xf32>, vector<128x384xf32>, vector<256x384xf32> -> vector<256x384xf32>
      %get3A_211 = arith.constant 4 : index
      %get3A_212 = arith.constant 0 : index
      %get3A_213 = vector.load %arg11[%get3A_211, %get3A_212] : memref<8x384xf32, #tpu.memory_space<vmem>>, vector<1x384xf32>
      %add3A_214 = vector.broadcast %get3A_213 : vector<1x384xf32> to vector<256x384xf32>
      %add3A_215 = arith.addf %dot_general3A_210, %add3A_214 : vector<256x384xf32>
      %slice3A_216 = vector.extract_strided_slice %dot_general3A_66 {offsets = [0, 5, 0], sizes = [256, 1, 512], strides = [1, 1, 1]} : vector<256x8x512xf32> to vector<256x1x512xf32>
      %squeeze3A_217 = vector.shape_cast %slice3A_216 : vector<256x1x512xf32> to vector<256x512xf32>
      %get3A_218 = arith.constant 5 : index
      %get3A_219 = arith.constant 0 : index
      %get3A_220 = arith.constant 0 : index
      %get3A_221 = vector.load %arg8[%get3A_218, %get3A_219, %get3A_220] : memref<8x512x384xf32, #tpu.memory_space<vmem>>, vector<1x512x384xf32>
      %get3A_222 = vector.shape_cast %get3A_221 : vector<1x512x384xf32> to vector<512x384xf32>
      %dot_general3A_223 = arith.constant dense<0.000000e+00> : vector<256x384xf32>
      %dot_general3A_224 = tpu.matmul %squeeze3A_217, %get3A_222, %dot_general3A_223 {dimension_numbers = #tpu.dot_dimension_numbers<[1], [0], [0], [1], [0, 0, 1, 1], [], []>, transpose_lhs_hint = false} : vector<256x512xf32>, vector<512x384xf32>, vector<256x384xf32> -> vector<256x384xf32>
      %get3A_225 = arith.constant 5 : index
      %get3A_226 = arith.constant 0 : index
      %get3A_227 = vector.load %arg9[%get3A_225, %get3A_226] : memref<8x384xf32, #tpu.memory_space<vmem>>, vector<1x384xf32>
      %add3A_228 = vector.broadcast %get3A_227 : vector<1x384xf32> to vector<256x384xf32>
      %add3A_229 = arith.addf %dot_general3A_224, %add3A_228 : vector<256x384xf32>
      %slice3A_230 = vector.extract_strided_slice %scan3A_14 {offsets = [0, 640], sizes = [256, 128], strides = [1, 1]} : vector<256x1024xf32> to vector<256x128xf32>
      %get3A_231 = arith.constant 5 : index
      %get3A_232 = arith.constant 0 : index
      %get3A_233 = arith.constant 0 : index
      %get3A_234 = vector.load %arg10[%get3A_231, %get3A_232, %get3A_233] : memref<8x128x384xf32, #tpu.memory_space<vmem>>, vector<1x128x384xf32>
      %get3A_235 = vector.shape_cast %get3A_234 : vector<1x128x384xf32> to vector<128x384xf32>
      %dot_general3A_236 = arith.constant dense<0.000000e+00> : vector<256x384xf32>
      %dot_general3A_237 = tpu.matmul %slice3A_230, %get3A_235, %dot_general3A_236 {dimension_numbers = #tpu.dot_dimension_numbers<[1], [0], [0], [1], [0, 0, 1, 1], [], []>, transpose_lhs_hint = false} : vector<256x128xf32>, vector<128x384xf32>, vector<256x384xf32> -> vector<256x384xf32>
      %get3A_238 = arith.constant 5 : index
      %get3A_239 = arith.constant 0 : index
      %get3A_240 = vector.load %arg11[%get3A_238, %get3A_239] : memref<8x384xf32, #tpu.memory_space<vmem>>, vector<1x384xf32>
      %add3A_241 = vector.broadcast %get3A_240 : vector<1x384xf32> to vector<256x384xf32>
      %add3A_242 = arith.addf %dot_general3A_237, %add3A_241 : vector<256x384xf32>
      %slice3A_243 = vector.extract_strided_slice %dot_general3A_66 {offsets = [0, 6, 0], sizes = [256, 1, 512], strides = [1, 1, 1]} : vector<256x8x512xf32> to vector<256x1x512xf32>
      %squeeze3A_244 = vector.shape_cast %slice3A_243 : vector<256x1x512xf32> to vector<256x512xf32>
      %get3A_245 = arith.constant 6 : index
      %get3A_246 = arith.constant 0 : index
      %get3A_247 = arith.constant 0 : index
      %get3A_248 = vector.load %arg8[%get3A_245, %get3A_246, %get3A_247] : memref<8x512x384xf32, #tpu.memory_space<vmem>>, vector<1x512x384xf32>
      %get3A_249 = vector.shape_cast %get3A_248 : vector<1x512x384xf32> to vector<512x384xf32>
      %dot_general3A_250 = arith.constant dense<0.000000e+00> : vector<256x384xf32>
      %dot_general3A_251 = tpu.matmul %squeeze3A_244, %get3A_249, %dot_general3A_250 {dimension_numbers = #tpu.dot_dimension_numbers<[1], [0], [0], [1], [0, 0, 1, 1], [], []>, transpose_lhs_hint = false} : vector<256x512xf32>, vector<512x384xf32>, vector<256x384xf32> -> vector<256x384xf32>
      %get3A_252 = arith.constant 6 : index
      %get3A_253 = arith.constant 0 : index
      %get3A_254 = vector.load %arg9[%get3A_252, %get3A_253] : memref<8x384xf32, #tpu.memory_space<vmem>>, vector<1x384xf32>
      %add3A_255 = vector.broadcast %get3A_254 : vector<1x384xf32> to vector<256x384xf32>
      %add3A_256 = arith.addf %dot_general3A_251, %add3A_255 : vector<256x384xf32>
      %slice3A_257 = vector.extract_strided_slice %scan3A_14 {offsets = [0, 768], sizes = [256, 128], strides = [1, 1]} : vector<256x1024xf32> to vector<256x128xf32>
      %get3A_258 = arith.constant 6 : index
      %get3A_259 = arith.constant 0 : index
      %get3A_260 = arith.constant 0 : index
      %get3A_261 = vector.load %arg10[%get3A_258, %get3A_259, %get3A_260] : memref<8x128x384xf32, #tpu.memory_space<vmem>>, vector<1x128x384xf32>
      %get3A_262 = vector.shape_cast %get3A_261 : vector<1x128x384xf32> to vector<128x384xf32>
      %dot_general3A_263 = arith.constant dense<0.000000e+00> : vector<256x384xf32>
      %dot_general3A_264 = tpu.matmul %slice3A_257, %get3A_262, %dot_general3A_263 {dimension_numbers = #tpu.dot_dimension_numbers<[1], [0], [0], [1], [0, 0, 1, 1], [], []>, transpose_lhs_hint = false} : vector<256x128xf32>, vector<128x384xf32>, vector<256x384xf32> -> vector<256x384xf32>
      %get3A_265 = arith.constant 6 : index
      %get3A_266 = arith.constant 0 : index
      %get3A_267 = vector.load %arg11[%get3A_265, %get3A_266] : memref<8x384xf32, #tpu.memory_space<vmem>>, vector<1x384xf32>
      %add3A_268 = vector.broadcast %get3A_267 : vector<1x384xf32> to vector<256x384xf32>
      %add3A_269 = arith.addf %dot_general3A_264, %add3A_268 : vector<256x384xf32>
      %slice3A_270 = vector.extract_strided_slice %dot_general3A_66 {offsets = [0, 7, 0], sizes = [256, 1, 512], strides = [1, 1, 1]} : vector<256x8x512xf32> to vector<256x1x512xf32>
      %squeeze3A_271 = vector.shape_cast %slice3A_270 : vector<256x1x512xf32> to vector<256x512xf32>
      %get3A_272 = arith.constant 7 : index
      %get3A_273 = arith.constant 0 : index
      %get3A_274 = arith.constant 0 : index
      %get3A_275 = vector.load %arg8[%get3A_272, %get3A_273, %get3A_274] : memref<8x512x384xf32, #tpu.memory_space<vmem>>, vector<1x512x384xf32>
      %get3A_276 = vector.shape_cast %get3A_275 : vector<1x512x384xf32> to vector<512x384xf32>
      %dot_general3A_277 = arith.constant dense<0.000000e+00> : vector<256x384xf32>
      %dot_general3A_278 = tpu.matmul %squeeze3A_271, %get3A_276, %dot_general3A_277 {dimension_numbers = #tpu.dot_dimension_numbers<[1], [0], [0], [1], [0, 0, 1, 1], [], []>, transpose_lhs_hint = false} : vector<256x512xf32>, vector<512x384xf32>, vector<256x384xf32> -> vector<256x384xf32>
      %get3A_279 = arith.constant 7 : index
      %get3A_280 = arith.constant 0 : index
      %get3A_281 = vector.load %arg9[%get3A_279, %get3A_280] : memref<8x384xf32, #tpu.memory_space<vmem>>, vector<1x384xf32>
      %add3A_282 = vector.broadcast %get3A_281 : vector<1x384xf32> to vector<256x384xf32>
      %add3A_283 = arith.addf %dot_general3A_278, %add3A_282 : vector<256x384xf32>
      %slice3A_284 = vector.extract_strided_slice %scan3A_14 {offsets = [0, 896], sizes = [256, 128], strides = [1, 1]} : vector<256x1024xf32> to vector<256x128xf32>
      %get3A_285 = arith.constant 7 : index
      %get3A_286 = arith.constant 0 : index
      %get3A_287 = arith.constant 0 : index
      %get3A_288 = vector.load %arg10[%get3A_285, %get3A_286, %get3A_287] : memref<8x128x384xf32, #tpu.memory_space<vmem>>, vector<1x128x384xf32>
      %get3A_289 = vector.shape_cast %get3A_288 : vector<1x128x384xf32> to vector<128x384xf32>
      %dot_general3A_290 = arith.constant dense<0.000000e+00> : vector<256x384xf32>
      %dot_general3A_291 = tpu.matmul %slice3A_284, %get3A_289, %dot_general3A_290 {dimension_numbers = #tpu.dot_dimension_numbers<[1], [0], [0], [1], [0, 0, 1, 1], [], []>, transpose_lhs_hint = false} : vector<256x128xf32>, vector<128x384xf32>, vector<256x384xf32> -> vector<256x384xf32>
      %get3A_292 = arith.constant 7 : index
      %get3A_293 = arith.constant 0 : index
      %get3A_294 = vector.load %arg11[%get3A_292, %get3A_293] : memref<8x384xf32, #tpu.memory_space<vmem>>, vector<1x384xf32>
      %add3A_295 = vector.broadcast %get3A_294 : vector<1x384xf32> to vector<256x384xf32>
      %add3A_296 = arith.addf %dot_general3A_291, %add3A_295 : vector<256x384xf32>
      %stack3A = vector.shape_cast %add3A_94 : vector<256x384xf32> to vector<256x1x384xf32>
      %stack3A_297 = vector.shape_cast %add3A_121 : vector<256x384xf32> to vector<256x1x384xf32>
      %stack3A_298 = vector.shape_cast %add3A_148 : vector<256x384xf32> to vector<256x1x384xf32>
      %stack3A_299 = vector.shape_cast %add3A_175 : vector<256x384xf32> to vector<256x1x384xf32>
      %stack3A_300 = vector.shape_cast %add3A_202 : vector<256x384xf32> to vector<256x1x384xf32>
      %stack3A_301 = vector.shape_cast %add3A_229 : vector<256x384xf32> to vector<256x1x384xf32>
      %stack3A_302 = vector.shape_cast %add3A_256 : vector<256x384xf32> to vector<256x1x384xf32>
      %stack3A_303 = vector.shape_cast %add3A_283 : vector<256x384xf32> to vector<256x1x384xf32>
      %stack3A_304 = tpu.concatenate %stack3A, %stack3A_297, %stack3A_298, %stack3A_299, %stack3A_300, %stack3A_301, %stack3A_302, %stack3A_303 in 1 : vector<256x1x384xf32>, vector<256x1x384xf32>, vector<256x1x384xf32>, vector<256x1x384xf32>, vector<256x1x384xf32>, vector<256x1x384xf32>, vector<256x1x384xf32>, vector<256x1x384xf32> -> vector<256x8x384xf32>
      %stack3A_305 = vector.shape_cast %add3A_107 : vector<256x384xf32> to vector<256x1x384xf32>
      %stack3A_306 = vector.shape_cast %add3A_134 : vector<256x384xf32> to vector<256x1x384xf32>
      %stack3A_307 = vector.shape_cast %add3A_161 : vector<256x384xf32> to vector<256x1x384xf32>
      %stack3A_308 = vector.shape_cast %add3A_188 : vector<256x384xf32> to vector<256x1x384xf32>
      %stack3A_309 = vector.shape_cast %add3A_215 : vector<256x384xf32> to vector<256x1x384xf32>
      %stack3A_310 = vector.shape_cast %add3A_242 : vector<256x384xf32> to vector<256x1x384xf32>
      %stack3A_311 = vector.shape_cast %add3A_269 : vector<256x384xf32> to vector<256x1x384xf32>
      %stack3A_312 = vector.shape_cast %add3A_296 : vector<256x384xf32> to vector<256x1x384xf32>
      %stack3A_313 = tpu.concatenate %stack3A_305, %stack3A_306, %stack3A_307, %stack3A_308, %stack3A_309, %stack3A_310, %stack3A_311, %stack3A_312 in 1 : vector<256x1x384xf32>, vector<256x1x384xf32>, vector<256x1x384xf32>, vector<256x1x384xf32>, vector<256x1x384xf32>, vector<256x1x384xf32>, vector<256x1x384xf32>, vector<256x1x384xf32> -> vector<256x8x384xf32>
      %slice3A_314 = vector.extract_strided_slice %stack3A_304 {offsets = [0, 0, 0], sizes = [256, 8, 128], strides = [1, 1, 1]} : vector<256x8x384xf32> to vector<256x8x128xf32>
      %slice3A_315 = vector.extract_strided_slice %stack3A_313 {offsets = [0, 0, 0], sizes = [256, 8, 128], strides = [1, 1, 1]} : vector<256x8x384xf32> to vector<256x8x128xf32>
      %add3A_316 = arith.addf %slice3A_314, %slice3A_315 : vector<256x8x128xf32>
      %logistic3A = arith.negf %add3A_316 : vector<256x8x128xf32>
      %logistic3A_317 = math.exp %logistic3A : vector<256x8x128xf32>
      %logistic3A_318 = arith.constant 1.000000e+00 : f32
      %logistic3A_319 = vector.broadcast %logistic3A_318 : f32 to vector<256x8x128xf32>
      %logistic3A_320 = arith.addf %logistic3A_319, %logistic3A_317 : vector<256x8x128xf32>
      %logistic3A_321 = arith.divf %logistic3A_319, %logistic3A_320 : vector<256x8x128xf32>
      %slice3A_322 = vector.extract_strided_slice %stack3A_304 {offsets = [0, 0, 128], sizes = [256, 8, 128], strides = [1, 1, 1]} : vector<256x8x384xf32> to vector<256x8x128xf32>
      %slice3A_323 = vector.extract_strided_slice %stack3A_313 {offsets = [0, 0, 128], sizes = [256, 8, 128], strides = [1, 1, 1]} : vector<256x8x384xf32> to vector<256x8x128xf32>
      %add3A_324 = arith.addf %slice3A_322, %slice3A_323 : vector<256x8x128xf32>
      %logistic3A_325 = arith.negf %add3A_324 : vector<256x8x128xf32>
      %logistic3A_326 = math.exp %logistic3A_325 : vector<256x8x128xf32>
      %logistic3A_327 = arith.constant 1.000000e+00 : f32
      %logistic3A_328 = vector.broadcast %logistic3A_327 : f32 to vector<256x8x128xf32>
      %logistic3A_329 = arith.addf %logistic3A_328, %logistic3A_326 : vector<256x8x128xf32>
      %logistic3A_330 = arith.divf %logistic3A_328, %logistic3A_329 : vector<256x8x128xf32>
      %slice3A_331 = vector.extract_strided_slice %stack3A_304 {offsets = [0, 0, 256], sizes = [256, 8, 128], strides = [1, 1, 1]} : vector<256x8x384xf32> to vector<256x8x128xf32>
      %slice3A_332 = vector.extract_strided_slice %stack3A_313 {offsets = [0, 0, 256], sizes = [256, 8, 128], strides = [1, 1, 1]} : vector<256x8x384xf32> to vector<256x8x128xf32>
      %mul3A = arith.mulf %logistic3A_321, %slice3A_332 : vector<256x8x128xf32>
      %add3A_333 = arith.addf %slice3A_331, %mul3A : vector<256x8x128xf32>
      %tanh3A = math.tanh %add3A_333 : vector<256x8x128xf32>
      %sub3A_334 = arith.constant 1.000000e+00 : f32
      %sub3A_335 = vector.broadcast %sub3A_334 : f32 to vector<256x8x128xf32>
      %sub3A_336 = arith.subf %sub3A_335, %logistic3A_330 : vector<256x8x128xf32>
      %mul3A_337 = arith.mulf %sub3A_336, %tanh3A : vector<256x8x128xf32>
      %mul3A_338 = arith.mulf %logistic3A_330, %reshape3A_19 : vector<256x8x128xf32>
      %add3A_339 = arith.addf %mul3A_337, %mul3A_338 : vector<256x8x128xf32>
      %reshape3A_340 = vector.shape_cast %add3A_339 : vector<256x8x128xf32> to vector<2048x128xf32>
      %get3A_341 = arith.constant 0 : index
      %get3A_342 = arith.constant 0 : index
      %get3A_343 = vector.load %arg12[%get3A_341, %get3A_342] : memref<128x64xf32, #tpu.memory_space<vmem>>, vector<128x64xf32>
      %dot_general3A_344 = arith.constant dense<0.000000e+00> : vector<2048x64xf32>
      %dot_general3A_345 = tpu.matmul %reshape3A_340, %get3A_343, %dot_general3A_344 {dimension_numbers = #tpu.dot_dimension_numbers<[1], [0], [0], [1], [0, 0, 1, 1], [], []>, transpose_lhs_hint = false} : vector<2048x128xf32>, vector<128x64xf32>, vector<2048x64xf32> -> vector<2048x64xf32>
      %get3A_346 = arith.constant 0 : index
      %get3A_347 = arith.constant 0 : index
      %get3A_348 = vector.load %arg13[%get3A_346, %get3A_347] : memref<1x64xf32, #tpu.memory_space<vmem>>, vector<1x64xf32>
      %add3A_349 = vector.broadcast %get3A_348 : vector<1x64xf32> to vector<2048x64xf32>
      %add3A_350 = arith.addf %dot_general3A_345, %add3A_349 : vector<2048x64xf32>
      %get3A_351 = arith.constant 0 : index
      %get3A_352 = arith.constant 0 : index
      %get3A_353 = vector.load %arg14[%get3A_351, %get3A_352] : memref<128x64xf32, #tpu.memory_space<vmem>>, vector<128x64xf32>
      %dot_general3A_354 = arith.constant dense<0.000000e+00> : vector<2048x64xf32>
      %dot_general3A_355 = tpu.matmul %reshape3A_340, %get3A_353, %dot_general3A_354 {dimension_numbers = #tpu.dot_dimension_numbers<[1], [0], [0], [1], [0, 0, 1, 1], [], []>, transpose_lhs_hint = false} : vector<2048x128xf32>, vector<128x64xf32>, vector<2048x64xf32> -> vector<2048x64xf32>
      %get3A_356 = arith.constant 0 : index
      %get3A_357 = arith.constant 0 : index
      %get3A_358 = vector.load %arg15[%get3A_356, %get3A_357] : memref<1x64xf32, #tpu.memory_space<vmem>>, vector<1x64xf32>
      %add3A_359 = vector.broadcast %get3A_358 : vector<1x64xf32> to vector<2048x64xf32>
      %add3A_360 = arith.addf %dot_general3A_355, %add3A_359 : vector<2048x64xf32>
      %get3A_361 = arith.constant 0 : index
      %get3A_362 = arith.constant 0 : index
      %get3A_363 = vector.load %arg16[%get3A_361, %get3A_362] : memref<128x64xf32, #tpu.memory_space<vmem>>, vector<128x64xf32>
      %dot_general3A_364 = arith.constant dense<0.000000e+00> : vector<2048x64xf32>
      %dot_general3A_365 = tpu.matmul %reshape3A_340, %get3A_363, %dot_general3A_364 {dimension_numbers = #tpu.dot_dimension_numbers<[1], [0], [0], [1], [0, 0, 1, 1], [], []>, transpose_lhs_hint = false} : vector<2048x128xf32>, vector<128x64xf32>, vector<2048x64xf32> -> vector<2048x64xf32>
      %get3A_366 = arith.constant 0 : index
      %get3A_367 = arith.constant 0 : index
      %get3A_368 = vector.load %arg17[%get3A_366, %get3A_367] : memref<1x64xf32, #tpu.memory_space<vmem>>, vector<1x64xf32>
      %add3A_369 = vector.broadcast %get3A_368 : vector<1x64xf32> to vector<2048x64xf32>
      %add3A_370 = arith.addf %dot_general3A_365, %add3A_369 : vector<2048x64xf32>
      %reshape3A_371 = vector.shape_cast %add3A_350 : vector<2048x64xf32> to vector<256x8x4x16xf32>
      %transpose3A = tpu.transpose %reshape3A_371, [2, 0, 1, 3] : vector<256x8x4x16xf32> -> vector<4x256x8x16xf32>
      %reshape3A_372 = vector.shape_cast %transpose3A : vector<4x256x8x16xf32> to vector<1024x8x16xf32>
      %reshape3A_373 = vector.shape_cast %add3A_360 : vector<2048x64xf32> to vector<256x8x4x16xf32>
      %transpose3A_374 = tpu.transpose %reshape3A_373, [2, 0, 1, 3] : vector<256x8x4x16xf32> -> vector<4x256x8x16xf32>
      %reshape3A_375 = vector.shape_cast %transpose3A_374 : vector<4x256x8x16xf32> to vector<1024x8x16xf32>
      %reshape3A_376 = vector.shape_cast %add3A_370 : vector<2048x64xf32> to vector<256x8x4x16xf32>
      %transpose3A_377 = tpu.transpose %reshape3A_376, [2, 0, 1, 3] : vector<256x8x4x16xf32> -> vector<4x256x8x16xf32>
      %reshape3A_378 = vector.shape_cast %transpose3A_377 : vector<4x256x8x16xf32> to vector<1024x8x16xf32>
      "tpu.trace_start"() <{level = 10 : i32, message = "bqd,bkd->bqk"}> : () -> ()
      %dot_general3A_379 = arith.constant dense<0.000000e+00> : vector<1024x8x8xf32>
      %dot_general3A_380 = tpu.matmul %reshape3A_372, %reshape3A_375, %dot_general3A_379 {dimension_numbers = #tpu.dot_dimension_numbers<[2], [2], [1], [1], [0, 0, 0, 1, 1, 1], [0], [0]>, transpose_lhs_hint = false} : vector<1024x8x16xf32>, vector<1024x8x16xf32>, vector<1024x8x8xf32> -> vector<1024x8x8xf32>
      "tpu.trace_stop"() : () -> ()
      %div3A_381 = arith.constant 4.000000e+00 : f32
      %div3A_382 = vector.broadcast %div3A_381 : f32 to vector<1024x8x8xf32>
      %div3A_383 = arith.divf %dot_general3A_380, %div3A_382 : vector<1024x8x8xf32>
      %reduce_max3A_384 = arith.constant dense<0xFF800000> : vector<1024x8xf32>
      %reduce_max3A_385 = vector.multi_reduction <maximumf>, %div3A_383, %reduce_max3A_384 [2] : vector<1024x8x8xf32> to vector<1024x8xf32>
      %max3A_386 = arith.constant 0xFF800000 : f32
      %max3A_387 = vector.broadcast %max3A_386 : f32 to vector<1024x8xf32>
      %max3A_388 = arith.maximumf %max3A_387, %reduce_max3A_385 : vector<1024x8xf32>
      %broadcast_in_dim3A_389 = vector.shape_cast %max3A_388 : vector<1024x8xf32> to vector<1024x8x1xf32>
      %sub3A_390 = vector.broadcast %broadcast_in_dim3A_389 : vector<1024x8x1xf32> to vector<1024x8x8xf32>
      %sub3A_391 = arith.subf %div3A_383, %sub3A_390 : vector<1024x8x8xf32>
      %exp3A_392 = math.exp %sub3A_391 : vector<1024x8x8xf32>
      %reduce_sum3A_393 = arith.constant dense<0.000000e+00> : vector<1024x8xf32>
      %reduce_sum3A_394 = vector.multi_reduction <add>, %exp3A_392, %reduce_sum3A_393 [2] : vector<1024x8x8xf32> to vector<1024x8xf32>
      %broadcast_in_dim3A_395 = vector.shape_cast %reduce_sum3A_394 : vector<1024x8xf32> to vector<1024x8x1xf32>
      %div3A_396 = vector.broadcast %broadcast_in_dim3A_395 : vector<1024x8x1xf32> to vector<1024x8x8xf32>
      %div3A_397 = arith.divf %exp3A_392, %div3A_396 : vector<1024x8x8xf32>
      "tpu.trace_start"() <{level = 10 : i32, message = "bqk,bkd->bqd"}> : () -> ()
      %dot_general3A_398 = arith.constant dense<0.000000e+00> : vector<1024x8x16xf32>
      %dot_general3A_399 = tpu.matmul %div3A_397, %reshape3A_378, %dot_general3A_398 {dimension_numbers = #tpu.dot_dimension_numbers<[2], [1], [1], [2], [0, 0, 0, 1, 1, 2], [0], [0]>, transpose_lhs_hint = false} : vector<1024x8x8xf32>, vector<1024x8x16xf32>, vector<1024x8x16xf32> -> vector<1024x8x16xf32>
      "tpu.trace_stop"() : () -> ()
      %reshape3A_400 = vector.shape_cast %dot_general3A_399 : vector<1024x8x16xf32> to vector<4x256x8x16xf32>
      %transpose3A_401 = tpu.transpose %reshape3A_400, [1, 2, 0, 3] : vector<4x256x8x16xf32> -> vector<256x8x4x16xf32>
      %reshape3A_402 = vector.shape_cast %transpose3A_401 : vector<256x8x4x16xf32> to vector<256x8x64xf32>
      %reshape3A_403 = vector.shape_cast %reshape3A_402 : vector<256x8x64xf32> to vector<2048x64xf32>
      %get3A_404 = arith.constant 0 : index
      %get3A_405 = arith.constant 0 : index
      %get3A_406 = vector.load %arg18[%get3A_404, %get3A_405] : memref<64x128xf32, #tpu.memory_space<vmem>>, vector<64x128xf32>
      %dot_general3A_407 = arith.constant dense<0.000000e+00> : vector<2048x128xf32>
      %dot_general3A_408 = tpu.matmul %reshape3A_403, %get3A_406, %dot_general3A_407 {dimension_numbers = #tpu.dot_dimension_numbers<[1], [0], [0], [1], [0, 0, 1, 1], [], []>, transpose_lhs_hint = false} : vector<2048x64xf32>, vector<64x128xf32>, vector<2048x128xf32> -> vector<2048x128xf32>
      %get3A_409 = arith.constant 0 : index
      %get3A_410 = arith.constant 0 : index
      %get3A_411 = vector.load %arg19[%get3A_409, %get3A_410] : memref<1x128xf32, #tpu.memory_space<vmem>>, vector<1x128xf32>
      %add3A_412 = vector.broadcast %get3A_411 : vector<1x128xf32> to vector<2048x128xf32>
      %add3A_413 = arith.addf %dot_general3A_408, %add3A_412 : vector<2048x128xf32>
      %reshape3A_414 = vector.shape_cast %add3A_413 : vector<2048x128xf32> to vector<256x8x128xf32>
      %add3A_415 = arith.addf %reshape3A_414, %add3A_339 : vector<256x8x128xf32>
      %add3A_416 = arith.addf %add3A_339, %add3A_415 : vector<256x8x128xf32>
      %broadcast_in_dim3A_417 = vector.shape_cast %convert_element_type3A_80 : vector<256x8xf32> to vector<256x8x1xf32>
      %mul3A_418 = vector.broadcast %broadcast_in_dim3A_417 : vector<256x8x1xf32> to vector<256x8x128xf32>
      %mul3A_419 = arith.mulf %mul3A_418, %add3A_416 : vector<256x8x128xf32>
      %sub3A_420 = arith.constant 1.000000e+00 : f32
      %sub3A_421 = vector.broadcast %sub3A_420 : f32 to vector<256x8x1xf32>
      %sub3A_422 = arith.subf %sub3A_421, %broadcast_in_dim3A_417 : vector<256x8x1xf32>
      %mul3A_423 = vector.broadcast %sub3A_422 : vector<256x8x1xf32> to vector<256x8x128xf32>
      %mul3A_424 = arith.mulf %mul3A_423, %reshape3A_19 : vector<256x8x128xf32>
      %add3A_425 = arith.addf %mul3A_419, %mul3A_424 : vector<256x8x128xf32>
      %reshape3A_426 = vector.shape_cast %add3A_425 : vector<256x8x128xf32> to vector<256x1024xf32>
      %reshape3A_427 = vector.shape_cast %reshape3A_426 : vector<256x1024xf32> to vector<1x256x1024xf32>
      %swap3A = arith.index_cast %scan3A_13 : i32 to index
      %swap3A_428 = arith.constant 0 : index
      %swap3A_429 = arith.constant 0 : index
      %swap3A_430 = vector.load %arg20[%swap3A, %swap3A_428, %swap3A_429] : memref<6x256x1024xf32, #tpu.memory_space<vmem>>, vector<1x256x1024xf32>
      tpu.vector_store %arg20[%swap3A, %swap3A_428, %swap3A_429], %reshape3A_427 {strides = array<i32>} : memref<6x256x1024xf32, #tpu.memory_space<vmem>>, vector<1x256x1024xf32>,
      scf.yield %reshape3A_426 : vector<256x1024xf32>
    }
    %scan3A_12 = arith.constant 6 : i32
    return
  }
}

</mosaic_0001>

<sc_bundles>
// kernel: sparse-core-data-format-call.1.cloned.1.call-start
scs
called_computation.1_lowered:
.L_overlay_start_0:
0x0: {  	s2 =	sld [smem:$0x3FD9]  }
0x1: {  	s3 =	sld [smem:$0x3FFE];
	_ =	sdelay $0x1  }
0x2: {  	s1 =	srdreg.scid  }
0x3: {  	s0 =	sand.u32 $0x1, s1  }
0x4: {  	s18 =	sshll.u32 s0, $0xA;
	s2 =	sadd.s32 s3, s2  }
0x5: {  	s2 =	sadd.s32 s2, s18  }
0x6: {  	[smem:$0x3FB4] =	sst s2  }
0x7: {  	_ = 	snop  }
0x8: {  	s2 =	sld [smem:$0x3FB9];
	(tm) =	ssettm $0x1  }
0x9: {  	s19 =	sld [smem:$0x3FFB];
	_ =	sdelay $0x3  }
0xa: {  	_ =	strace s19  }
0xb: {  	s3 =	sld [smem:$0x3FFC];
	_ =	sdelay $0x3  }
0xc: {  	_ =	strace s3  }
0xd: {  	s3 =	sld [smem:$0x3FFD];
	_ =	sdelay $0x3  }
0xe: {  	_ =	strace s3  }
0xf: {  	_ =	strace $0x8FFFFFFF  }
0x10: {  	s20 =	sld [smem:$0x3FDB];
	_ =	sdelay $0x1  }
0x11: {  	s4 =	simm.s32 $_scs_section_size  }
0x12: {  	s5 =	simm.s32 $_size__tile_overlayer_lowered;
	s6 =	simm.s32 $_tile_overlayer_lowered  }
0x13: {  	s23 =	simm.s32 $0x1BFF;
	s22 =	sshll.u32 s6, $0x1;
	s3 =	sadd.s32 s4, s20  }
0x14: {  	s7 =	simm.s32 $0x0;
	s21 =	sshll.u32 s5, $0x1;
	s5 =	sadd.s32 s22, s3  }
0x15: {  	[timem:s7], [sflag:s23] =	dma.local [hbm:s5], s21  }
0x16: {  	_ =	swait.ge [sflag:s23], s21  }
0x17: {  	s4 =	ssub.s32 $0x0, s21;
	[sflag:s23] =	ssyncset.done $0x0  }
0x18: {  	[sflag:s23] =	ssyncadd.s32 s4;
	_ =	sdelay $0x1  }
0x19: {  	s24 =	simm.s32 $0x1B8B  }
0x1a: {  	_ =	swait.ge [sflag:s24], $0x1  }
0x1b: {  	[sflag:s24] =	ssyncset.done $0x0  }
0x1c: {  	s26 =	simm.s32 $0x1B8E;
	s25 =	sld [smem:$0x3FFE];
	[sflag:s24] =	ssyncadd.s32 $0xFFFFFFFF  }
0x1d: {  	s27 =	simm.s32 $execute0_lowered;
	[smem:$0x3FD2] =	sst s26  }
0x1e: {  	s5 =	sshll.u32 s27, $0x1;
	_ =	strace $0x80000046;
	[dreg:$0x1] =	wrdreg $0xFFFFFFFF  }
0x1f: {  	s28 =	simm.s32 $_size_execute0_lowered;
	s3 =	sadd.s32 s3, s5;
	[dreg:$0x0] =	wrdreg $0x0  }
0x20: {  	s5 =	sshll.u32 s28, $0x1;
	[dreg:$0x2] =	wrdreg s3  }
0x21: {  	[dreg:$0x3] =	wrdreg s5  }
0x22: {  	[dreg:$0x4] =	wrdreg $0xC0  }
0x23: {  	_ =	task [dreg:s7], $0x5FFFF  }
0x24: {  	[dreg:$0x1] =	wrdreg $0xFFFFFFFF  }
0x25: {  	[dreg:$0x0] =	wrdreg $0x60  }
0x26: {  	[dreg:$0x2] =	wrdreg s2  }
0x27: {  	[dreg:$0x3] =	wrdreg s25  }
0x28: {  	[dreg:$0x4] =	wrdreg $0x9  }
0x29: {  	_ =	task.clear_ibuf [dreg:s7], $0x5FFFF;
	_ =	strace $0x90000046  }
0x2a: {  	s29 =	simm.s32 $0x9;
	_ =	strace $0x80000048  }
0x2b: {  	_ =	swait.ge [sflag:s29], $0x1  }
0x2c: {  	[sflag:s29] =	ssyncadd.s32 $0xFFFFFFFF  }
0x2d: {  	_ =	strace $0x90000048  }
0x2e: {  	_ =	sfence  }
0x2f: {  	s30 =	sld [smem:$0x0];
	_ =	sdelay $0x2  }
0x30: {  	s31 =	sshll.u32 s1, $0xD;
	s1 =	sshrl.u32 s1, $0x2  }
0x31: {  	s3 =	sand.u32 $0x4000, s31;
	s1 =	sadd.s32 s1, s30  }
0x32: {  	s0 =	sor.u32 s3, s0;
	s1 =	sshll.u32 s1, $0x11  }
0x33: {  	s0 =	sor.u32 s1, s0  }
0x34: {  	s0 =	sadd.s32 $0x8F2B, s0  }
0x35: {  	[sflag:s0] =	ssyncadd.remote.s32 $0x1  }
0x36: {  	_ =	sfence.sel $0xFFFF  }
0x37: {  	[dreg:$0x0] =	wrdreg $0xFFFFFFFF;
	(pc) =	sbr.abs _section_cstart, $3  }
0x38: {  	[dreg:$0x1] =	wrdreg $0xFFFFFFFF  }
0x39: {  	_ =	task.clear_ibuf [dreg:s7], $0x2FFFF;
	_ =	strace $0x9FFFFFFF  }
0x3a: {  	(tm) =	ssettm $0x7FFFFFFF  }
0x3b: {  	_ =	shalt  }
tec
execute0_lowered:
.L_overlay_start_1:
0x0: {  	(tag) =	ssettag $0x1  }
0x1: {  	s2 =	rddreg [dreg:$0x0]  }
0x2: {  	s1 =	rddreg [dreg:$0x1]  }
0x3: {  	s0 =	rddreg [dreg:$0x2];
	_ =	strace $0x80000047;
	s4 =	srdreg.scid  }
0x4: {  	s6 =	simm.s32 $0x2;
	s12 =	simm.s32 $0x0;
	p0 =	por $0x0, $0x0  }
0x5: {  	s13 =	simm.s32 $0x0;
	s15 =	simm.s32 $0x0;
	s14 =	simm.s32 $0x0  }
.Ltmp0:
0x6: {  	s8 =	simm.s32 $0x0;
	s9 =	simm.s32 $0x0;
	(pc) =	sbr.rel .LBB1_1-.Ltmp0, $4  }
0x7: {  	s10 =	simm.s32 $0x0;
	s3 =	sadd.s32 $0x3800, s1;
	s5 =	sshll.u32 s4, $0x4  }
0x8: {  	s1 =	stileid.u32;
	s4 =	simm.s32 $0x1;
	s5 =	sand.u32 $0x10, s5  }
0x9: {  	s7 =	simm.s32 $0x0;
	[sflag:s4] =	ssyncpa.u1 $0x0;
	s5 =	sor.u32 s1, s5  }
0xa: {  	[sflag:s6] =	ssyncpa.u1 $0x0;
	s6 =	simm.s32 $0x1000;
	s11 =	smov.u32 s5  }
.LBB1_7:
0xb: {  	s16 =	sadd.s32 $0x100, s8  }
0xc: {  	s12 =	sadd.s32 $0x8, s9;
	s17 =	smov.u32 s9;
	p2 =	sgt.s32 s16, $0x1FF  }
0xd: {  	s17 =	smov.u32 @p2 s12  }
0xe: {  	s18 =	smov.u32 s10;
	s12 =	sadd.s32 $0x8, s10;
	p3 =	sgt.s32 s17, $0x7  }
0xf: {  	s18 =	smov.u32 @p3 s12  }
0x10: {  	s19 =	smov.u32 s11;
	s12 =	sadd.s32 $0x20, s11;
	p4 =	sgt.s32 s18, $0x7  }
0x11: {  	p1 =	slt.u32 s7, $0x2;
	s19 =	smov.u32 @p4 s12  }
0x12: {  	s7 =	sadd.s32 $0x1, s7;
	s16 =	simm.s32 @p2 $0x0;
	p2 =	sgt.s32 s19, $0x17F  }
0x13: {  	s20 =	simm.s32 @!p1 $0x2;
	s19 =	smov.u32 @p2 s5;
	p2 =	sne.s32 s7, $0x1A  }
.Ltmp1:
0x14: {  	s13 =	smov.u32 s9;
	_ =	swait.ge @!p1 [sflag:s20], $0x4000;
	(pc) =	sbr.rel @!p2 .LBB1_8-.Ltmp1, $4  }
0x15: {  	s15 =	smov.u32 s10;
	s14 =	smov.u32 s11;
	[sflag:s20] =	ssyncset.done @!p1 $0x0  }
0x16: {  	p0 =	por !p0, !p0;
	s17 =	simm.s32 @p3 $0x0;
	[sflag:s20] =	ssyncadd.s32 @!p1 $0xFFFFC000  }
0x17: {  	s9 =	smov.u32 s17;
	s18 =	simm.s32 @p4 $0x0;
	s12 =	smov.u32 s8  }
0x18: {  	s8 =	smov.u32 s16;
	s10 =	smov.u32 s18;
	s11 =	smov.u32 s19  }
.LBB1_1:
0x19: {  	p1 =	sgt.u32 s7, $0x17  }
0x1a: {  	s16 =	sxor.u32 @!p1 $0xFFFFFFFF, s7;
	s17 =	sshll.u32 @!p1 s8, $0x3  }
0x1b: {  	s18 =	sshll.u32 @!p1 s9, $0x7;
	s19 =	sand.u32 @!p1 $0x78, s8;
	s20 =	sshll.u32 @!p1 s11, $0xC  }
0x1c: {  	s21 =	sshll.u32 @!p1 s10, $0x9;
	s16 =	sshll.u32 @!p1 s16, $0xE;
	s18 =	sand.u32 @!p1 $0x380, s18  }
0x1d: {  	s17 =	sand.u32 @!p1 $0xC00, s17;
	s16 =	sand.u32 @!p1 $0x4000, s16;
	s18 =	sor.u32 @!p1 s19, s18  }
0x1e: {  	s19 =	sand.u32 @!p1 $0x7, s8;
	s17 =	sor.u32 @!p1 s17, s18;
	s18 =	sadd.s32 @!p1 s2, s20  }
0x1f: {  	s19 =	sshll.u32 @!p1 s19, $0x12;
	s17 =	sshrl.u32 @!p1 s17, $0x3;
	s18 =	sadd.s32 @!p1 s21, s18  }
0x20: {  	s17 =	sadd.s32 @!p1 s17, s18;
	s18 =	sor.u32 @!p1 $0x800, s19;
	s19 =	simm.s32 @!p1 $0x1000  }
0x21: {  	[tilespmem:s16], [sflag:$0x1] =	stream.strided.gather @!p1 [hbm4b:s17+s18], $0x4000, s19, s18, $0x38;
	[tilespmem:$0x10000] =	vst v63  }
0x22: {  	p1 =	seq.s32 s7, $0x0  }
0x23: {  	p2 =	seq.s32 @!p1 s7, $0x19  }
0x24: {  	p1 =	por p1, p2  }
.Ltmp2:
0x25: {  	_ = 	snop;
	(pc) =	sbr.rel @p1 .LBB1_7-.Ltmp2, $1  }
0x26: {  	_ =	sdelay $0x3  }
0x27: {  	s16 =	simm.s32 $0x1;
	_ =	swait.ge [sflag:s4], $0x4000  }
0x28: {  	s31 =	sshll.u32 s7, $0xE;
	s21 =	simm.s32 $0x0;
	p1 =	por $0x0, $0x0  }
0x29: {  	s22 =	simm.s32 $0x0;
	s23 =	simm.s32 $0x0;
	s16 =	simm.s32 @!p0 $0x0  }
0x2a: {  	[sflag:s4] =	ssyncset.done $0x0;
	s19 =	sand.u32 $0x4000, s31;
	s16 =	sshll.u32 s16, $0x10  }
0x2b: {  	[sflag:s4] =	ssyncadd.s32 $0xFFFFC000;
	s20 =	sshrl.u32 s16, $0x2;
	s16 =	sor.u32 $0x8000, s19  }
0x2c: {  	s17 =	sor.u32 $0x40, s20;
	s18 =	sor.u32 $0x8410, s20;
	s20 =	sadd.s32 $0x8400, s20  }
.LBB1_3:
0x2d: {  	v1 =	vld [tilespmem:s17+$0xFFFFFFD0]  }
0x2e: {  	v2 =	vld [tilespmem:s17+$0x430]  }
0x2f: {  	s24 =	sshll.u32 s23, $0xB;
	v4 =	vld [tilespmem:s17+$0xFFFFFFE0]  }
0x30: {  	v7 =	vld [tilespmem:s17+$0xFFFFFFF0];
	v0 =	vmov s24  }
0x31: {  	v8 =	vld [tilespmem:s17+$0x0]  }
0x32: {  	s30 =	sand.u32 $0x300, s21;
	v9 =	vld [tilespmem:s17+$0x10]  }
0x33: {  	s25 =	sand.u32 $0x80, s21;
	v10 =	vld [tilespmem:s17+$0x20];
	s24 =	sadd.s32 s30, s19  }
0x34: {  	v11 =	vld [tilespmem:s17+$0x30];
	s24 =	sadd.s32 s25, s24;
	s25 =	simm.s32 $0x1;
	[tilespmem:s18+$0x60] =	vst v2  }
0x35: {  	s31 =	sshll.u32 s22, $0x2;
	s25 =	simm.s32 @!p1 $0x0;
	[tilespmem:s18+$0xFFFFFC00] =	vst v1;
	v3 =	vld.idx.msk [tilespmem:v0+s24+$0x400 ss:$0x1], $0xffff  }
0x36: {  	v6 =	vld [tilespmem:s17+$0x3D0];
	s25 =	sshll.u32 s25, $0x9;
	[tilespmem:s18+$0xFFFFFC10] =	vst v4;
	s24 =	sand.u32 $0xFFFFFC00, s31  }
0x37: {  	v5 =	vld [tilespmem:s17+$0x3E0];
	[tilespmem:s18+$0xFFFFFC20] =	vst v7;
	s24 =	sor.u32 s25, s24  }
0x38: {  	[tilespmem:s18+$0xFFFFFC30] =	vst v8;
	v4 =	vld [tilespmem:s17+$0x400];
	s24 =	sshrl.u32 s24, $0x2  }
0x39: {  	[tilespmem:s18+$0xFFFFFC40] =	vst v9;
	v1 =	vld [tilespmem:s17+$0x410];
	s24 =	sadd.s32 s24, s20  }
0x3a: {  	[tilespmem:s24+$0x0] =	vst v3;
	v3 =	vld [tilespmem:s17+$0x3F0]  }
0x3b: {  	s28 =	simm.s32 $0x80;
	s27 =	simm.s32 $0x100;
	[tilespmem:s18+$0xFFFFFC50] =	vst v10;
	v2 =	vld [tilespmem:s17+$0x420]  }
0x3c: {  	s26 =	smov.u32 s18;
	s29 =	sand.u32 $0x300, s28;
	v7 =	vld [tilespmem:s17+$0xFFFFFFC0];
	[tilespmem:s18+$0xFFFFFC60] =	vst v11;
	s25 =	sadd.s32 $0x80, s17  }
.LBB1_4:
0x3d: {  	p2 =	sne.s32 s27, $0x380;
	v8 =	vld [tilespmem:s25+$0xFFFFFFD0];
	s28 =	sand.u32 $0x80, s28;
	s29 =	sadd.s32 s29, s19;
	[tilespmem:s26+$0x0] =	vst v6  }
0x3e: {  	s29 =	sadd.s32 s28, s29;
	v6 =	vld [tilespmem:s25+$0x430];
	[tilespmem:s26+$0x10] =	vst v5;
	s28 =	smov.u32 s27  }
0x3f: {  	v5 =	vld.idx.msk [tilespmem:v0+s29+$0x400 ss:$0x1], $0xffff;
	[tilespmem:s26+$0x20] =	vst v3  }
0x40: {  	v3 =	vld [tilespmem:s25+$0xFFFFFFE0];
	[tilespmem:s26+$0x30] =	vst v4  }
0x41: {  	v4 =	vld [tilespmem:s25+$0xFFFFFFF0];
	[tilespmem:s26+$0xFFFFFBF0] =	vst v7  }
0x42: {  	v7 =	vld [tilespmem:s25+$0x0];
	[tilespmem:s26+$0x40] =	vst v1  }
0x43: {  	v1 =	vld [tilespmem:s25+$0x10];
	[tilespmem:s26+$0x50] =	vst v2;
	s26 =	sadd.s32 $0x800, s26  }
0x44: {  	s24 =	sadd.s32 $0x800, s24;
	v2 =	vld [tilespmem:s25+$0x20];
	[tilespmem:s26+$0x60] =	vst v6  }
0x45: {  	v9 =	vld [tilespmem:s25+$0x30];
	[tilespmem:s24+$0x0] =	vst v5  }
0x46: {  	[tilespmem:s26+$0xFFFFFC00] =	vst v8;
	v6 =	vld [tilespmem:s25+$0x3D0]  }
0x47: {  	[tilespmem:s26+$0xFFFFFC10] =	vst v3;
	v5 =	vld [tilespmem:s25+$0x3E0]  }
.Ltmp3:
0x48: {  	[tilespmem:s26+$0xFFFFFC20] =	vst v4;
	v3 =	vld [tilespmem:s25+$0x3F0];
	(pc) =	sbr.rel @p2 .LBB1_4-.Ltmp3, $4  }
0x49: {  	[tilespmem:s26+$0xFFFFFC30] =	vst v7;
	v4 =	vld [tilespmem:s25+$0x400]  }
0x4a: {  	[tilespmem:s26+$0xFFFFFC40] =	vst v1;
	v1 =	vld [tilespmem:s25+$0x410]  }
0x4b: {  	[tilespmem:s26+$0xFFFFFC50] =	vst v2;
	v2 =	vld [tilespmem:s25+$0x420]  }
0x4c: {  	s27 =	sadd.s32 $0x80, s27;
	s29 =	sand.u32 $0x300, s28;
	v7 =	vld [tilespmem:s25+$0xFFFFFFC0];
	[tilespmem:s26+$0xFFFFFC60] =	vst v9;
	s25 =	sadd.s32 $0x80, s25  }
0x4d: {  	[tilespmem:s26+$0x0] =	vst v6  }
0x4e: {  	[tilespmem:s26+$0x10] =	vst v5  }
0x4f: {  	v49 =	vld [tilespmem:s25+$0x430];
	[tilespmem:s26+$0x20] =	vst v3  }
0x50: {  	v50 =	vld [tilespmem:s25+$0xFFFFFFD0];
	[tilespmem:s26+$0x30] =	vst v4  }
0x51: {  	v51 =	vld [tilespmem:s25+$0xFFFFFFE0];
	[tilespmem:s26+$0x40] =	vst v1  }
0x52: {  	v52 =	vld [tilespmem:s25+$0xFFFFFFF0];
	[tilespmem:s26+$0x50] =	vst v2  }
0x53: {  	s31 =	sadd.s32 $0x800, s26;
	v53 =	vld [tilespmem:s25+$0x0];
	[tilespmem:s26+$0xFFFFFBF0] =	vst v7  }
0x54: {  	v54 =	vld [tilespmem:s25+$0x10];
	[tilespmem:s31+$0x60] =	vst v49  }
0x55: {  	v55 =	vld [tilespmem:s25+$0x20];
	[tilespmem:s31+$0xFFFFFC00] =	vst v50  }
0x56: {  	v56 =	vld [tilespmem:s25+$0x30];
	[tilespmem:s31+$0xFFFFFC10] =	vst v51  }
0x57: {  	v57 =	vld [tilespmem:s25+$0x3D0];
	[tilespmem:s31+$0xFFFFFC20] =	vst v52  }
0x58: {  	v58 =	vld [tilespmem:s25+$0x3E0];
	[tilespmem:s31+$0xFFFFFC30] =	vst v53  }
0x59: {  	v59 =	vld [tilespmem:s25+$0x3F0];
	[tilespmem:s31+$0xFFFFFC40] =	vst v54  }
0x5a: {  	v60 =	vld [tilespmem:s25+$0x400];
	[tilespmem:s31+$0xFFFFFC50] =	vst v55  }
0x5b: {  	v61 =	vld [tilespmem:s25+$0xFFFFFFC0];
	[tilespmem:s31+$0xFFFFFC60] =	vst v56  }
0x5c: {  	s27 =	sand.u32 $0x80, s28;
	s30 =	sadd.s32 s29, s19;
	v62 =	vld [tilespmem:s25+$0x410];
	[tilespmem:s31+$0x0] =	vst v57  }
0x5d: {  	v63 =	vld [tilespmem:s25+$0x420];
	s23 =	sadd.s32 $0x1, s23;
	s27 =	sadd.s32 s27, s30;
	[tilespmem:s31+$0x10] =	vst v58  }
0x5e: {  	p2 =	sne.s32 s23, $0x8;
	v0 =	vld.idx.msk [tilespmem:v0+s27+$0x400 ss:$0x1], $0xffff;
	[tilespmem:s31+$0x20] =	vst v59  }
.Ltmp4:
0x5f: {  	[tilespmem:s31+$0x30] =	vst v60;
	(pc) =	sbr.rel @p2 .LBB1_3-.Ltmp4, $4  }
0x60: {  	[tilespmem:s31+$0xFFFFFBF0] =	vst v61  }
0x61: {  	[tilespmem:s31+$0x40] =	vst v62  }
0x62: {  	s24 =	sadd.s32 $0x800, s24;
	s17 =	sadd.s32 $0x800, s17;
	[tilespmem:s31+$0x50] =	vst v63  }
0x63: {  	s22 =	sadd.s32 $0x80, s22;
	p1 =	por !p1, !p1;
	s18 =	sadd.s32 $0x80, s18;
	[tilespmem:s24+$0x0] =	vst v0  }
0x64: {  	s17 =	sshll.u32 s12, $0x3;
	s15 =	sshll.u32 s15, $0x7;
	s18 =	sand.u32 $0x78, s12  }
0x65: {  	s14 =	sshll.u32 s14, $0xC;
	s13 =	sshll.u32 s13, $0x9;
	s15 =	sand.u32 $0x380, s15  }
.Ltmp5:
0x66: {  	s17 =	sand.u32 $0xC00, s17;
	s15 =	sor.u32 s18, s15;
	(pc) =	sbr.rel .LBB1_7-.Ltmp5, $4  }
0x67: {  	s31 =	sand.u32 $0x7, s12;
	s14 =	sadd.s32 s3, s14;
	s15 =	sor.u32 s17, s15  }
0x68: {  	s12 =	sshll.u32 s31, $0x12;
	s13 =	sadd.s32 s13, s14;
	s15 =	sshrl.u32 s15, $0x3  }
0x69: {  	s12 =	sor.u32 $0x800, s12;
	s13 =	sadd.s32 s15, s13  }
0x6a: {  	[hbm4b:s13+s12] =	stream.strided.scatter [tilespmem:s16], [sflag:$0x2], $0x4000, s6, s12, $0x38;
	[tilespmem:$0x10000] =	vst v63  }
.LBB1_8:
0x6b: {  	_ =	sfence.sel $0x180000  }
0x6c: {  	s2 =	simm.s32 $0x1;
	[bflag:$0x0] =	sbarrier.arrive $0xFFFF  }
0x6d: {  	s31 =	simm.s32 $0x2;
	[sflag:s2] =	ssyncpa.u1 $0x1  }
0x6e: {  	[sflag:s31] =	ssyncpa.u1 $0x1  }
0x6f: {  	p0 =	sne.s32 s1, $0x0;
	_ =	strace $0x90000047  }
0x70: {  	s0 =	sadd.s32 @!p0 $0x100000, s0;
	[bflag:$0x2] =	sbarrier.arrive $0xFFFF  }
0x71: {  	[sflag:s0] =	ssyncadd.tile.s32 @!p0 $0x1;
	_ =	shalt  }
.Lfunc_end1:
_tile_overlayer_lowered:
.L_overlay_start_2:
0x72: {  	(tag) =	ssettag $0x2  }
0x73: {  	s0 =	rddreg [dreg:$0x0];
	s2 =	stileid.u32  }
0x74: {  	s1 =	rddreg [dreg:$0x1];
	p0 =	sne.s32 s2, $0x0  }
0x75: {  	s3 =	rddreg [dreg:$0x2];
	[bflag:$0x3] =	sbarrier.arrive $0xFFFF;
	s2 =	simm.s32 @!p0 $0x1C01  }
0x76: {  	[timem:s3], [sflag:s2] =	dma.local @!p0 [hbm:s0], s1  }
0x77: {  	s0 =	simm.s32 @!p0 $0x1  }
0x78: {  	_ =	swait.ge @!p0 [sflag:s0], s1  }
0x79: {  	s1 =	ssub.s32 @!p0 $0x0, s1;
	[sflag:s0] =	ssyncset.done @!p0 $0x0  }
0x7a: {  	[sflag:s0] =	ssyncadd.s32 @!p0 s1  }
0x7b: {  	[bflag:$0x3] =	sbarrier.arrive $0xFFFF  }
0x7c: {  	_ =	shalt  }

// kernel: sparse-core-data-format-call.cloned.1.call-start
scs
called_computation_lowered:
.L_overlay_start_0:
0x0: {  	s1 =	sld [smem:$0x3FD9]  }
0x1: {  	s2 =	sld [smem:$0x3FFE];
	_ =	sdelay $0x1  }
0x2: {  	s3 =	srdreg.scid  }
0x3: {  	s0 =	sand.u32 $0x1, s3  }
0x4: {  	s17 =	sshll.u32 s0, $0xA;
	s1 =	sadd.s32 s2, s1  }
0x5: {  	s1 =	sadd.s32 s1, s17  }
0x6: {  	[smem:$0x3FB4] =	sst s1  }
0x7: {  	_ = 	snop  }
0x8: {  	(tm) =	ssettm $0x1  }
0x9: {  	s18 =	sld [smem:$0x3FFB];
	_ =	sdelay $0x3  }
0xa: {  	_ =	strace s18  }
0xb: {  	s1 =	sld [smem:$0x3FFC];
	_ =	sdelay $0x3  }
0xc: {  	_ =	strace s1  }
0xd: {  	s1 =	sld [smem:$0x3FFD];
	_ =	sdelay $0x3  }
0xe: {  	_ =	strace s1  }
0xf: {  	_ =	strace $0x8FFFFFFF  }
0x10: {  	s19 =	sld [smem:$0x3FDB];
	_ =	sdelay $0x1  }
0x11: {  	s20 =	simm.s32 $_scs_section_size  }
0x12: {  	s4 =	simm.s32 $_size__tile_overlayer_lowered;
	s5 =	simm.s32 $_tile_overlayer_lowered  }
0x13: {  	s23 =	simm.s32 $0x1BFF;
	s22 =	sshll.u32 s5, $0x1;
	s1 =	sadd.s32 s20, s19  }
0x14: {  	s6 =	simm.s32 $0x0;
	s21 =	sshll.u32 s4, $0x1;
	s4 =	sadd.s32 s22, s1  }
0x15: {  	[timem:s6], [sflag:s23] =	dma.local [hbm:s4], s21  }
0x16: {  	_ =	swait.ge [sflag:s23], s21  }
0x17: {  	s2 =	ssub.s32 $0x0, s21;
	[sflag:s23] =	ssyncset.done $0x0  }
0x18: {  	[sflag:s23] =	ssyncadd.s32 s2;
	_ =	sdelay $0x1  }
0x19: {  	s24 =	simm.s32 $0x1B8B  }
0x1a: {  	_ =	swait.ge [sflag:s24], $0x1  }
0x1b: {  	[sflag:s24] =	ssyncset.done $0x0  }
0x1c: {  	s26 =	simm.s32 $0x1B8E;
	s25 =	sld [smem:$0x3FFE];
	[sflag:s24] =	ssyncadd.s32 $0xFFFFFFFF  }
0x1d: {  	s27 =	simm.s32 $execute0_lowered;
	[smem:$0x3FD2] =	sst s26  }
0x1e: {  	s4 =	sshll.u32 s27, $0x1;
	_ =	strace $0x80000049;
	[dreg:$0x1] =	wrdreg $0xFFFFFFFF  }
0x1f: {  	s28 =	simm.s32 $_size_execute0_lowered;
	s1 =	sadd.s32 s1, s4;
	[dreg:$0x0] =	wrdreg $0x0  }
0x20: {  	s4 =	sshll.u32 s28, $0x1;
	[dreg:$0x2] =	wrdreg s1  }
0x21: {  	[dreg:$0x3] =	wrdreg s4  }
0x22: {  	[dreg:$0x4] =	wrdreg $0xC0  }
0x23: {  	_ =	task [dreg:s6], $0x5FFFF  }
0x24: {  	[dreg:$0x1] =	wrdreg $0xFFFFFFFF  }
0x25: {  	[dreg:$0x0] =	wrdreg $0x60  }
0x26: {  	[dreg:$0x2] =	wrdreg s25  }
0x27: {  	[dreg:$0x3] =	wrdreg $0x9  }
0x28: {  	_ =	task.clear_ibuf [dreg:s6], $0x4FFFF;
	_ =	strace $0x90000049  }
0x29: {  	s29 =	simm.s32 $0x9;
	_ =	strace $0x8000004B  }
0x2a: {  	_ =	swait.ge [sflag:s29], $0x1  }
0x2b: {  	[sflag:s29] =	ssyncadd.s32 $0xFFFFFFFF  }
0x2c: {  	_ =	strace $0x9000004B  }
0x2d: {  	_ =	sfence  }
0x2e: {  	s30 =	sld [smem:$0x0];
	_ =	sdelay $0x2  }
0x2f: {  	s31 =	sshll.u32 s3, $0xD;
	s3 =	sshrl.u32 s3, $0x2  }
0x30: {  	s2 =	sand.u32 $0x4000, s31;
	s1 =	sadd.s32 s3, s30  }
0x31: {  	s0 =	sor.u32 s2, s0;
	s1 =	sshll.u32 s1, $0x11  }
0x32: {  	s0 =	sor.u32 s1, s0  }
0x33: {  	s0 =	sadd.s32 $0x8F2B, s0  }
0x34: {  	[sflag:s0] =	ssyncadd.remote.s32 $0x1  }
0x35: {  	_ =	sfence.sel $0xFFFF  }
0x36: {  	[dreg:$0x0] =	wrdreg $0xFFFFFFFF;
	(pc) =	sbr.abs _section_cstart, $3  }
0x37: {  	[dreg:$0x1] =	wrdreg $0xFFFFFFFF  }
0x38: {  	_ =	task.clear_ibuf [dreg:s6], $0x2FFFF;
	_ =	strace $0x9FFFFFFF  }
0x39: {  	(tm) =	ssettm $0x7FFFFFFF  }
tec
execute0_lowered:
.L_overlay_start_1:
0x0: {  	(tag) =	ssettag $0x1  }
0x1: {  	s0 =	srdreg.scid;
	s7 =	stileid.u32  }
0x2: {  	s1 =	rddreg [dreg:$0x0];
	s5 =	simm.s32 $0x1;
	_ =	strace $0x8000004A  }
0x3: {  	s4 =	simm.s32 $0x1;
	s6 =	simm.s32 $0x2;
	s0 =	sshll.u32 s0, $0x4  }
0x4: {  	s17 =	simm.s32 $0x0;
	s10 =	simm.s32 $0x0;
	s0 =	sor.u32 s7, s0  }
0x5: {  	s18 =	simm.s32 $0x0;
	s21 =	simm.s32 $0x0;
	s2 =	sand.u32 $0x18, s0  }
0x6: {  	s19 =	simm.s32 $0x0;
	s20 =	simm.s32 $0x0;
	s0 =	ssub.s32 $0x80, s2  }
0x7: {  	s11 =	simm.s32 $0x0;
	s12 =	simm.s32 $0x0;
	s3 =	sand.u32 $0x18, s0  }
0x8: {  	s15 =	simm.s32 $0x0;
	s16 =	simm.s32 $0x0;
	p0 =	sne.s32 s3, $0x0  }
.Ltmp0:
0x9: {  	s0 =	sshrl.u32 s0, $0x5;
	s5 =	simm.s32 @!p0 $0x0;
	(pc) =	sbr.rel .LBB1_1-.Ltmp0, $4  }
0xa: {  	s27 =	simm.s32 $0x0;
	[sflag:s4] =	ssyncpa.u1 $0x0;
	s0 =	sadd.s32 s5, s0  }
0xb: {  	s31 =	sadd.s32 $0x183800, s1;
	s7 =	sand.u32 $0x7, s7;
	s5 =	smul.u32 $0x6, s0  }
0xc: {  	[dreg:$0x2] =	wrdreg s31;
	[sflag:s6] =	ssyncpa.u1 $0x0;
	s14 =	smov.u32 s7  }
0xd: {  	s13 =	smov.u32 s2;
	s3 =	sadd.s32 $0x3800, s1;
	s8 =	sor.u32 $0x1, s5  }
.LBB1_7:
0xe: {  	s0 =	sadd.s32 $0x100, s11  }
0xf: {  	s1 =	sadd.s32 $0x8, s12;
	s6 =	smov.u32 s12;
	p1 =	sgt.s32 s0, $0x1FF  }
0x10: {  	s6 =	smov.u32 @p1 s1  }
0x11: {  	s9 =	smov.u32 s13;
	s1 =	sadd.s32 $0x20, s13;
	p2 =	sgt.s32 s6, $0x7  }
0x12: {  	s9 =	smov.u32 @p2 s1  }
0x13: {  	s22 =	smov.u32 s14;
	s1 =	sadd.s32 $0x8, s14;
	p3 =	sgt.s32 s9, $0x7F  }
0x14: {  	s22 =	smov.u32 @p3 s1  }
0x15: {  	s0 =	simm.s32 @p1 $0x0;
	s1 =	simm.s32 $0x1;
	p1 =	sgt.s32 s22, $0x7  }
0x16: {  	p0 =	slt.u32 s16, $0x2;
	s1 =	simm.s32 @!p1 $0x0  }
0x17: {  	s17 =	smov.u32 s11;
	s18 =	smov.u32 s12;
	s1 =	sadd.s32 s1, s15  }
0x18: {  	s21 =	smov.u32 s13;
	s22 =	smov.u32 @p1 s7;
	p1 =	sgt.s32 s1, $0x2  }
0x19: {  	s23 =	simm.s32 @!p0 $0x2;
	s1 =	simm.s32 @p1 $0x0;
	p1 =	sne.s32 s16, s8  }
.Ltmp1:
0x1a: {  	s19 =	smov.u32 s14;
	_ =	swait.ge @!p0 [sflag:s23], $0x4000;
	(pc) =	sbr.rel @!p1 .LBB1_8-.Ltmp1, $4  }
0x1b: {  	s20 =	smov.u32 s15;
	s10 =	sadd.s32 $0x4000, s10;
	[sflag:s23] =	ssyncset.done @!p0 $0x0  }
0x1c: {  	s11 =	smov.u32 s0;
	s6 =	simm.s32 @p2 $0x0;
	s9 =	smov.u32 @p3 s2  }
0x1d: {  	[sflag:s23] =	ssyncadd.s32 @!p0 $0xFFFFC000;
	s12 =	smov.u32 s6;
	s13 =	smov.u32 s9  }
0x1e: {  	s14 =	smov.u32 s22;
	s16 =	sadd.s32 $0x1, s16;
	s15 =	smov.u32 s1  }
.LBB1_1:
0x1f: {  	p0 =	sge.u32 s16, s5  }
0x20: {  	s31 =	sadd.s32 $0xFFFFFFFF, s16;
	s0 =	sxor.u32 @!p0 $0xFFFFFFFF, s16  }
0x21: {  	s1 =	sshll.u32 @!p0 s11, $0x3;
	s6 =	sand.u32 @!p0 $0x78, s11;
	s9 =	sshll.u32 @!p0 s12, $0x7  }
0x22: {  	s22 =	sshll.u32 @!p0 s15, $0x13;
	s23 =	sshll.u32 @!p0 s14, $0x10;
	s24 =	sshll.u32 @!p0 s13, $0x9  }
0x23: {  	s0 =	sshll.u32 @!p0 s0, $0xE;
	s1 =	sand.u32 @!p0 $0xC00, s1;
	s9 =	sand.u32 @!p0 $0x380, s9  }
0x24: {  	s0 =	sand.u32 @!p0 $0x4000, s0;
	s6 =	sor.u32 @!p0 s6, s9;
	s9 =	sadd.s32 @!p0 s3, s22  }
0x25: {  	s1 =	sor.u32 @!p0 s1, s6;
	s6 =	sadd.s32 @!p0 s23, s9;
	s9 =	sand.u32 @!p0 $0x7, s11  }
0x26: {  	s1 =	sshrl.u32 @!p0 s1, $0x3;
	s6 =	sadd.s32 @!p0 s24, s6;
	s9 =	sshll.u32 @!p0 s9, $0x12  }
0x27: {  	s1 =	sadd.s32 @!p0 s1, s6;
	s6 =	sor.u32 @!p0 $0x800, s9;
	s9 =	simm.s32 @!p0 $0x1000  }
0x28: {  	[tilespmem:s0], [sflag:$0x1] =	stream.strided.gather @!p0 [hbm4b:s1+s6], $0x4000, s9, s6, $0x38;
	[tilespmem:$0x10000] =	vst v63  }
0x29: {  	p0 =	sge.u32 s31, s5  }
.Ltmp2:
0x2a: {  	_ = 	snop;
	(pc) =	sbr.rel @p0 .LBB1_7-.Ltmp2, $1  }
0x2b: {  	_ =	sdelay $0x3  }
0x2c: {  	s0 =	sshll.u32 s10, $0x2;
	_ =	swait.ge [sflag:s4], $0x4000;
	s6 =	sshll.u32 s16, $0xE  }
0x2d: {  	p0 =	por $0x0, $0x0;
	s28 =	simm.s32 $0x0;
	s29 =	simm.s32 $0x0  }
0x2e: {  	s0 =	sand.u32 $0x10000, s0;
	[sflag:s4] =	ssyncset.done $0x0;
	s25 =	sand.u32 $0x4000, s6  }
0x2f: {  	s0 =	sshrl.u32 s0, $0x2;
	[sflag:s4] =	ssyncadd.s32 $0xFFFFC000;
	s22 =	sor.u32 $0x8000, s25  }
0x30: {  	s23 =	sor.u32 $0x40, s0;
	s1 =	sor.u32 $0x8410, s0;
	s26 =	sadd.s32 $0x8400, s0  }
.LBB1_3:
0x31: {  	v1 =	vld [tilespmem:s23+$0xFFFFFFD0]  }
0x32: {  	v2 =	vld [tilespmem:s23+$0x430]  }
0x33: {  	s0 =	sshll.u32 s29, $0xB;
	v4 =	vld [tilespmem:s23+$0xFFFFFFE0]  }
0x34: {  	v7 =	vld [tilespmem:s23+$0xFFFFFFF0];
	v0 =	vmov s0  }
0x35: {  	v8 =	vld [tilespmem:s23+$0x0]  }
0x36: {  	s9 =	sand.u32 $0x300, s27;
	v9 =	vld [tilespmem:s23+$0x10]  }
0x37: {  	s6 =	sand.u32 $0x80, s27;
	v10 =	vld [tilespmem:s23+$0x20];
	s0 =	sadd.s32 s9, s25  }
0x38: {  	v11 =	vld [tilespmem:s23+$0x30];
	s0 =	sadd.s32 s6, s0;
	s6 =	simm.s32 $0x1;
	[tilespmem:s1+$0x60] =	vst v2  }
0x39: {  	s24 =	sshll.u32 s28, $0x2;
	s6 =	simm.s32 @!p0 $0x0;
	[tilespmem:s1+$0xFFFFFC00] =	vst v1;
	v3 =	vld.idx.msk [tilespmem:v0+s0+$0x400 ss:$0x1], $0xffff  }
0x3a: {  	v6 =	vld [tilespmem:s23+$0x3D0];
	s6 =	sshll.u32 s6, $0x9;
	[tilespmem:s1+$0xFFFFFC10] =	vst v4;
	s0 =	sand.u32 $0xFFFFFC00, s24  }
0x3b: {  	v5 =	vld [tilespmem:s23+$0x3E0];
	[tilespmem:s1+$0xFFFFFC20] =	vst v7;
	s0 =	sor.u32 s6, s0  }
0x3c: {  	[tilespmem:s1+$0xFFFFFC30] =	vst v8;
	v4 =	vld [tilespmem:s23+$0x400];
	s0 =	sshrl.u32 s0, $0x2  }
0x3d: {  	[tilespmem:s1+$0xFFFFFC40] =	vst v9;
	v1 =	vld [tilespmem:s23+$0x410];
	s30 =	sadd.s32 s0, s26  }
0x3e: {  	[tilespmem:s30+$0x0] =	vst v3;
	v3 =	vld [tilespmem:s23+$0x3F0]  }
0x3f: {  	s31 =	sadd.s32 $0x80, s23;
	s9 =	simm.s32 $0x80;
	[tilespmem:s1+$0xFFFFFC50] =	vst v10;
	v2 =	vld [tilespmem:s23+$0x420]  }
0x40: {  	v7 =	vld [tilespmem:s23+$0xFFFFFFC0];
	[tilespmem:s1+$0xFFFFFC60] =	vst v11;
	s24 =	smov.u32 s1;
	s6 =	sand.u32 $0x300, s9;
	s0 =	simm.s32 $0x100  }
.LBB1_4:
0x41: {  	p1 =	sne.s32 s0, $0x380;
	v8 =	vld [tilespmem:s31+$0xFFFFFFD0];
	s9 =	sand.u32 $0x80, s9;
	s6 =	sadd.s32 s6, s25;
	[tilespmem:s24+$0x0] =	vst v6  }
0x42: {  	s6 =	sadd.s32 s9, s6;
	v6 =	vld [tilespmem:s31+$0x430];
	[tilespmem:s24+$0x10] =	vst v5;
	s9 =	smov.u32 s0  }
0x43: {  	v5 =	vld.idx.msk [tilespmem:v0+s6+$0x400 ss:$0x1], $0xffff;
	[tilespmem:s24+$0x20] =	vst v3  }
0x44: {  	v3 =	vld [tilespmem:s31+$0xFFFFFFE0];
	[tilespmem:s24+$0x30] =	vst v4  }
0x45: {  	v4 =	vld [tilespmem:s31+$0xFFFFFFF0];
	[tilespmem:s24+$0xFFFFFBF0] =	vst v7  }
0x46: {  	v7 =	vld [tilespmem:s31+$0x0];
	[tilespmem:s24+$0x40] =	vst v1  }
0x47: {  	v1 =	vld [tilespmem:s31+$0x10];
	[tilespmem:s24+$0x50] =	vst v2;
	s24 =	sadd.s32 $0x800, s24  }
0x48: {  	s30 =	sadd.s32 $0x800, s30;
	v2 =	vld [tilespmem:s31+$0x20];
	[tilespmem:s24+$0x60] =	vst v6  }
0x49: {  	v9 =	vld [tilespmem:s31+$0x30];
	[tilespmem:s30+$0x0] =	vst v5  }
0x4a: {  	[tilespmem:s24+$0xFFFFFC00] =	vst v8;
	v6 =	vld [tilespmem:s31+$0x3D0]  }
0x4b: {  	[tilespmem:s24+$0xFFFFFC10] =	vst v3;
	v5 =	vld [tilespmem:s31+$0x3E0]  }
.Ltmp3:
0x4c: {  	[tilespmem:s24+$0xFFFFFC20] =	vst v4;
	v3 =	vld [tilespmem:s31+$0x3F0];
	(pc) =	sbr.rel @p1 .LBB1_4-.Ltmp3, $4  }
0x4d: {  	[tilespmem:s24+$0xFFFFFC30] =	vst v7;
	v4 =	vld [tilespmem:s31+$0x400]  }
0x4e: {  	[tilespmem:s24+$0xFFFFFC40] =	vst v1;
	v1 =	vld [tilespmem:s31+$0x410]  }
0x4f: {  	[tilespmem:s24+$0xFFFFFC50] =	vst v2;
	v2 =	vld [tilespmem:s31+$0x420]  }
0x50: {  	s0 =	sadd.s32 $0x80, s0;
	s6 =	sand.u32 $0x300, s9;
	v7 =	vld [tilespmem:s31+$0xFFFFFFC0];
	[tilespmem:s24+$0xFFFFFC60] =	vst v9;
	s31 =	sadd.s32 $0x80, s31  }
0x51: {  	[tilespmem:s24+$0x0] =	vst v6  }
0x52: {  	[tilespmem:s24+$0x10] =	vst v5  }
0x53: {  	v49 =	vld [tilespmem:s31+$0x430];
	[tilespmem:s24+$0x20] =	vst v3  }
0x54: {  	v50 =	vld [tilespmem:s31+$0xFFFFFFD0];
	[tilespmem:s24+$0x30] =	vst v4  }
0x55: {  	v51 =	vld [tilespmem:s31+$0xFFFFFFE0];
	[tilespmem:s24+$0x40] =	vst v1  }
0x56: {  	v52 =	vld [tilespmem:s31+$0xFFFFFFF0];
	[tilespmem:s24+$0x50] =	vst v2  }
0x57: {  	v53 =	vld [tilespmem:s31+$0x0];
	[tilespmem:s24+$0xFFFFFBF0] =	vst v7;
	s24 =	sadd.s32 $0x800, s24  }
0x58: {  	v54 =	vld [tilespmem:s31+$0x10];
	[tilespmem:s24+$0x60] =	vst v49  }
0x59: {  	v55 =	vld [tilespmem:s31+$0x20];
	[tilespmem:s24+$0xFFFFFC00] =	vst v50  }
0x5a: {  	v56 =	vld [tilespmem:s31+$0x30];
	[tilespmem:s24+$0xFFFFFC10] =	vst v51  }
0x5b: {  	v57 =	vld [tilespmem:s31+$0x3D0];
	[tilespmem:s24+$0xFFFFFC20] =	vst v52  }
0x5c: {  	v58 =	vld [tilespmem:s31+$0x3E0];
	[tilespmem:s24+$0xFFFFFC30] =	vst v53  }
0x5d: {  	v59 =	vld [tilespmem:s31+$0x3F0];
	[tilespmem:s24+$0xFFFFFC40] =	vst v54  }
0x5e: {  	v60 =	vld [tilespmem:s31+$0x400];
	[tilespmem:s24+$0xFFFFFC50] =	vst v55  }
0x5f: {  	v61 =	vld [tilespmem:s31+$0xFFFFFFC0];
	[tilespmem:s24+$0xFFFFFC60] =	vst v56  }
0x60: {  	s0 =	sand.u32 $0x80, s9;
	s6 =	sadd.s32 s6, s25;
	v62 =	vld [tilespmem:s31+$0x410];
	[tilespmem:s24+$0x0] =	vst v57  }
0x61: {  	v63 =	vld [tilespmem:s31+$0x420];
	s29 =	sadd.s32 $0x1, s29;
	s0 =	sadd.s32 s0, s6;
	[tilespmem:s24+$0x10] =	vst v58  }
0x62: {  	p1 =	sne.s32 s29, $0x8;
	v0 =	vld.idx.msk [tilespmem:v0+s0+$0x400 ss:$0x1], $0xffff;
	[tilespmem:s24+$0x20] =	vst v59  }
.Ltmp4:
0x63: {  	[tilespmem:s24+$0x30] =	vst v60;
	(pc) =	sbr.rel @p1 .LBB1_3-.Ltmp4, $4  }
0x64: {  	[tilespmem:s24+$0xFFFFFBF0] =	vst v61  }
0x65: {  	[tilespmem:s24+$0x40] =	vst v62  }
0x66: {  	s30 =	sadd.s32 $0x800, s30;
	s23 =	sadd.s32 $0x800, s23;
	[tilespmem:s24+$0x50] =	vst v63  }
0x67: {  	s28 =	sadd.s32 $0x80, s28;
	p0 =	por !p0, !p0;
	s1 =	sadd.s32 $0x80, s1;
	[tilespmem:s30+$0x0] =	vst v0  }
0x68: {  	s0 =	sshll.u32 s21, $0x9  }
0x69: {  	s1 =	sshll.u32 s17, $0x3;
	s6 =	sshll.u32 s21, $0x7;
	s9 =	sand.u32 $0x78, s17  }
0x6a: {  	s24 =	sshll.u32 s20, $0x13;
	s25 =	sshll.u32 s19, $0x10;
	s26 =	rddreg [dreg:$0x2]  }
0x6b: {  	s18 =	sshll.u32 s18, $0xD;
	s28 =	sand.u32 $0x7, s17;
	s0 =	sand.u32 $0xF000, s0  }
0x6c: {  	s1 =	sand.u32 $0xFC00, s1;
	s21 =	sand.u32 $0x200, s6;
	s23 =	sand.u32 $0x180, s6  }
0x6d: {  	s6 =	sadd.s32 s26, s24;
	s0 =	sadd.s32 s0, s1;
	s1 =	sor.u32 s23, s9  }
.Ltmp5:
0x6e: {  	s6 =	sadd.s32 s25, s6;
	s0 =	sor.u32 s21, s0;
	(pc) =	sbr.rel .LBB1_7-.Ltmp5, $4  }
0x6f: {  	s1 =	sshrl.u32 s1, $0x3;
	s6 =	sadd.s32 s18, s6;
	s0 =	sshrl.u32 s0, $0x3  }
0x70: {  	s29 =	sshll.u32 s28, $0x12;
	s1 =	sadd.s32 s1, s6;
	s0 =	sand.u32 $0x1FC0, s0  }
0x71: {  	s31 =	simm.s32 $0x10000;
	s30 =	sor.u32 $0x800, s29;
	s0 =	sadd.s32 s0, s1  }
0x72: {  	[hbm4b:s0+s30] =	stream.strided.scatter [tilespmem:s22], [sflag:$0x2], $0x4000, s31, s30, $0x38;
	[tilespmem:$0x10000] =	vst v63  }
.LBB1_8:
0x73: {  	_ =	sfence.sel $0x180000  }
0x74: {  	s0 =	simm.s32 $0x1;
	[bflag:$0x0] =	sbarrier.arrive $0xFFFF  }
0x75: {  	s30 =	simm.s32 $0x2;
	[sflag:s0] =	ssyncpa.u1 $0x1  }
0x76: {  	[sflag:s30] =	ssyncpa.u1 $0x1  }
0x77: {  	_ =	strace $0x9000004A  }
0x78: {  	s31 =	stileid.u32;
	[bflag:$0x2] =	sbarrier.arrive $0xFFFF  }
0x79: {  	p0 =	sne.s32 s31, $0x0;
	s0 =	rddreg [dreg:$0x1]  }
0x7a: {  	s0 =	sadd.s32 @!p0 $0x100000, s0  }
0x7b: {  	[sflag:s0] =	ssyncadd.tile.s32 @!p0 $0x1;
	_ =	shalt  }
.Lfunc_end1:
_tile_overlayer_lowered:
.L_overlay_start_2:
0x7c: {  	(tag) =	ssettag $0x2  }
0x7d: {  	s0 =	rddreg [dreg:$0x0];
	s2 =	stileid.u32  }
0x7e: {  	s1 =	rddreg [dreg:$0x1];
	p0 =	sne.s32 s2, $0x0  }
0x7f: {  	s3 =	rddreg [dreg:$0x2];
	[bflag:$0x3] =	sbarrier.arrive $0xFFFF;
	s2 =	simm.s32 @!p0 $0x1C01  }
0x80: {  	[timem:s3], [sflag:s2] =	dma.local @!p0 [hbm:s0], s1  }
0x81: {  	s0 =	simm.s32 @!p0 $0x1  }
0x82: {  	_ =	swait.ge @!p0 [sflag:s0], s1  }
0x83: {  	s1 =	ssub.s32 @!p0 $0x0, s1;
	[sflag:s0] =	ssyncset.done @!p0 $0x0  }
0x84: {  	[sflag:s0] =	ssyncadd.s32 @!p0 s1  }
0x85: {  	[bflag:$0x3] =	sbarrier.arrive $0xFFFF  }
0x86: {  	_ =	shalt  }

</sc_bundles>
